<compile_context>
chip_gen: v7x
topology: tpu7x:2x2x1
jax: 0.10.2.dev20260603
libtpu: 0.0.44.dev20260713+nightly
codegen_flags: <defaults>
</compile_context>

<pallas_src>
import functools

import jax
import jax.numpy as jnp
from jax import lax
from jax.experimental import pallas as pl
from jax.experimental.pallas import tpu as pltpu
from jax.experimental.pallas import tpu_sc as plsc

N_NODES = 10000
D = 128
DH = D // 2
N_EDGES = 320000

NC = 2
NS = 16
E_PER_TILE = N_EDGES // NS
CHUNK = 40
N_CHUNKS = E_PER_TILE // CHUNK
K = 5
NG = N_CHUNKS // K
GW = K * CHUNK
N_PAD = 10240
ROWS_PER_TILE = N_PAD // NS
CNT_W = 8
L = 16


def _sc_segment_sum(xr, src, dst, zeros_feat, zeros_cnt, ones):
    mesh = plsc.VectorSubcoreMesh(core_axis_name="c", subcore_axis_name="s")

    @functools.partial(
        pl.kernel,
        out_type=(
            jax.ShapeDtypeStruct((N_PAD, D), jnp.float32),
            jax.ShapeDtypeStruct((N_PAD, D), jnp.float32),
        ),
        mesh=mesh,
        scratch_types=[
            pltpu.VMEM((N_CHUNKS, CHUNK), jnp.int32),
            pltpu.VMEM((N_CHUNKS, CHUNK), jnp.int32),
            pltpu.VMEM((K, CHUNK, DH), jnp.float32),
            pltpu.VMEM((K, CHUNK, DH), jnp.float32),
            pltpu.VMEM((CHUNK, CNT_W), jnp.float32),
            pltpu.VMEM_SHARED((N_PAD, DH), jnp.float32),
            pltpu.VMEM_SHARED((N_PAD, CNT_W), jnp.float32),
            pltpu.SemaphoreType.DMA,
            pltpu.SemaphoreType.DMA,
            pltpu.SemaphoreType.DMA,
        ],
        compiler_params=pltpu.CompilerParams(use_tc_tiling_on_sc=False),
    )
    def k(xr_hbm, src_hbm, dst_hbm, zf_hbm, zc_hbm, ones_hbm,
          sum_out, cnt_out, sidx_v, didx_v, rows0_v, rows1_v, ones_v,
          acc_sh, cnt_sh, gsem, ssem, osem):
        c = lax.axis_index("c")
        s = lax.axis_index("s")
        r0 = s * ROWS_PER_TILE
        e0 = s * E_PER_TILE
        cv = jnp.zeros((L,), jnp.int32) + c

        pltpu.sync_copy(zf_hbm.at[pl.ds(r0, ROWS_PER_TILE)],
                        acc_sh.at[pl.ds(r0, ROWS_PER_TILE)])
        pltpu.sync_copy(zc_hbm.at[pl.ds(r0, ROWS_PER_TILE)],
                        cnt_sh.at[pl.ds(r0, ROWS_PER_TILE)])
        pltpu.sync_copy(src_hbm.at[s], sidx_v)
        pltpu.sync_copy(dst_hbm.at[s], didx_v)
        pltpu.sync_copy(ones_hbm, ones_v)
        plsc.subcore_barrier()

        xrv = xr_hbm.at[pl.ds(c, 2 * N_NODES - 1)]

        def start_gathers(g, buf):
            for j in range(K):
                pltpu.async_copy(
                    xrv.at[sidx_v.at[g * K + j]],
                    buf.at[j], gsem)

        def wait_gathers(g, buf):
            for j in range(K):
                pltpu.make_async_copy(
                    xrv.at[sidx_v.at[g * K + j]],
                    buf.at[j], gsem).wait()

        def start_scatters(g, buf):
            for j in range(K):
                pltpu.async_copy(
                    buf.at[j],
                    acc_sh.at[didx_v.at[g * K + j]],
                    ssem, add=True)

            @pl.when((g < NG // 2) == (c == 0))
            def _():
                for j in range(K):
                    pltpu.async_copy(
                        ones_v,
                        cnt_sh.at[didx_v.at[g * K + j]],
                        osem, add=True)

        def wait_scatters(g, buf):
            for j in range(K):
                pltpu.make_async_copy(
                    buf.at[j],
                    acc_sh.at[didx_v.at[g * K + j]],
                    ssem).wait()

        start_gathers(0, rows0_v)

        def body(p, carry):
            a = 2 * p

            @pl.when(p > 0)
            def _():
                wait_scatters(a - 1, rows1_v)

            start_gathers(a + 1, rows1_v)
            wait_gathers(a, rows0_v)
            start_scatters(a, rows0_v)

            @pl.when(p + 1 < NG // 2)
            def _():
                wait_scatters(a, rows0_v)
                start_gathers(a + 2, rows0_v)

            wait_gathers(a + 1, rows1_v)
            start_scatters(a + 1, rows1_v)
            return carry

        lax.fori_loop(0, NG // 2, body, 0)
        wait_scatters(NG - 2, rows0_v)
        wait_scatters(NG - 1, rows1_v)

        def drain(g, carry):
            for j in range(K):
                pltpu.make_async_copy(
                    ones_v,
                    cnt_sh.at[didx_v.at[g * K + j]],
                    osem).wait()
            return carry

        lax.fori_loop(0, NG // 2, drain, 0)
        plsc.subcore_barrier()

        pltpu.sync_copy(acc_sh.at[pl.ds(r0, ROWS_PER_TILE)],
                        sum_out.at[pl.ds(r0, ROWS_PER_TILE),
                                   pl.ds(c * DH, DH)])
        pltpu.sync_copy(cnt_sh.at[pl.ds(r0, ROWS_PER_TILE)],
                        cnt_out.at[pl.ds(r0, ROWS_PER_TILE),
                                   pl.ds(c * CNT_W, CNT_W)])

    return k(xr, src, dst, zeros_feat, zeros_cnt, ones)


def _tc_dense(summed, counts, x, wlT, wrT, woT, bl, bo):
    BLK = 1000
    grid = (N_NODES // BLK,)

    def body(sum_ref, cnt_ref, x_ref, wlT_ref, wrT_ref, woT_ref,
             bl_ref, bo_ref, out_ref, h_ref):
        cnt = cnt_ref[:, 0:1] + cnt_ref[:, CNT_W:CNT_W + 1]
        mean = sum_ref[...] / jnp.maximum(cnt, 1.0)
        h = (jnp.dot(mean, wlT_ref[...], preferred_element_type=jnp.float32)
             + jnp.dot(x_ref[...], wrT_ref[...],
                       preferred_element_type=jnp.float32)
             + bl_ref[...])
        out = (jnp.dot(h, woT_ref[...], preferred_element_type=jnp.float32)
               + bo_ref[...])
        h_ref[...] = h
        out_ref[...] = out

    return pl.pallas_call(
        body,
        grid=grid,
        in_specs=[
            pl.BlockSpec((BLK, D), lambda i: (i, 0)),
            pl.BlockSpec((BLK, D), lambda i: (i, 0)),
            pl.BlockSpec((BLK, D), lambda i: (i, 0)),
            pl.BlockSpec((D, D), lambda i: (0, 0)),
            pl.BlockSpec((D, D), lambda i: (0, 0)),
            pl.BlockSpec((D, D), lambda i: (0, 0)),
            pl.BlockSpec((1, D), lambda i: (0, 0)),
            pl.BlockSpec((1, D), lambda i: (0, 0)),
        ],
        out_specs=[
            pl.BlockSpec((BLK, D), lambda i: (i, 0)),
            pl.BlockSpec((BLK, D), lambda i: (i, 0)),
        ],
        out_shape=[
            jax.ShapeDtypeStruct((N_NODES, D), jnp.float32),
            jax.ShapeDtypeStruct((N_NODES, D), jnp.float32),
        ],
    )(summed, counts, x, wlT, wrT, woT, bl, bo)


def kernel(x, edge_index, W_l, b_l, W_r, W_out, b_out):
    ei = edge_index.astype(jnp.int32)
    s1 = ei[0]
    src = (s1 + s1).reshape(NS, N_CHUNKS, CHUNK)
    dst = ei[1].reshape(NS, N_CHUNKS, CHUNK)
    xr = x.reshape(2 * N_NODES, DH)
    zeros_feat = jnp.zeros((N_PAD, DH), jnp.float32)
    zeros_cnt = jnp.zeros((N_PAD, CNT_W), jnp.float32)
    ones = jnp.ones((CHUNK, CNT_W), jnp.float32)

    summed, counts = _sc_segment_sum(xr, src, dst, zeros_feat, zeros_cnt,
                                     ones)
    out, h = _tc_dense(summed, counts, x,
                       W_l.T, W_r.T, W_out.T,
                       b_l.reshape(1, D), b_out.reshape(1, D))
    return (out, h)

# --- scband reference (transcript-rebuilt; emitter-appended) ---
"""Pipeline reference for scband-graph-sagemodel-7533372637982 (READ-ONLY COPY).

The authoritative reference and input builder live on the scoring server;
editing this copy changes nothing except your own understanding.
"""

import jax, jax.numpy as jnp
import numpy as np

N_NODES = 10000
D_IN = 128
D_HID = 128
D_OUT = 128
N_EDGES = 320000


def setup_inputs(seed: int = 0) -> dict:
    key = jax.random.key(seed)
    k1, k2, k3, k4, k5, k6, k7 = jax.random.split(key, 7)
    x = jax.random.normal(k1, (N_NODES, D_IN), dtype=jnp.float32)
    edge_index = jax.random.randint(k2, (2, N_EDGES), 0, N_NODES, dtype=jnp.int64)
    # SAGEConv params: lin_l (applied to aggregated neighbors, has bias), lin_r (applied to self, no bias)
    W_l = jax.random.normal(k3, (D_HID, D_IN), dtype=jnp.float32) * 0.05
    b_l = jnp.zeros((D_HID,), dtype=jnp.float32)
    W_r = jax.random.normal(k4, (D_HID, D_IN), dtype=jnp.float32) * 0.05
    # output linear layer
    W_out = jax.random.normal(k5, (D_OUT, D_HID), dtype=jnp.float32) * 0.05
    b_out = jnp.zeros((D_OUT,), dtype=jnp.float32)
    return {"x": x, "edge_index": edge_index, "W_l": W_l, "b_l": b_l, "W_r": W_r, "W_out": W_out, "b_out": b_out}


def reference(x, edge_index, W_l, b_l, W_r, W_out, b_out):
    # SAGEConv with mean aggregation:
    #   h_i = W_l @ mean_{j in N(i)} x_j + b_l + W_r @ x_i
    src = edge_index[0]
    dst = edge_index[1]
    msgs = jnp.take(x, src, axis=0)                              # gather [E, D_IN]
    summed = jax.ops.segment_sum(msgs, dst, num_segments=N_NODES)  # scatter-add
    counts = jax.ops.segment_sum(jnp.ones((msgs.shape[0],), dtype=x.dtype), dst, num_segments=N_NODES)
    mean_aggr = summed / jnp.clip(counts, 1.0, None)[:, None]
    h = mean_aggr @ W_l.T + b_l + x @ W_r.T                      # SAGEConv output [N, D_HID]
    out = h @ W_out.T + b_out                                    # final linear [N, D_OUT]
    return (out, h)

if __name__ == "__main__":
    import jax
    _d = setup_inputs()
    print(jax.jit(kernel)(*tuple(_d.values())))

</pallas_src>

<mosaic_0001>
#map = affine_map<(d0, d1) -> (0, 0)>
#map1 = affine_map<(d0, d1) -> (0, 0, 0)>
module attributes {stable_mosaic.version = 14 : i64} {
  func.func @k(%arg0: i32, %arg1: i32, %arg2: memref<20000x64xf32, #tpu.memory_space<hbm>>, %arg3: memref<16x500x40xi32, #tpu.memory_space<hbm>>, %arg4: memref<16x500x40xi32, #tpu.memory_space<hbm>>, %arg5: memref<10240x64xf32, #tpu.memory_space<hbm>>, %arg6: memref<10240x8xf32, #tpu.memory_space<hbm>>, %arg7: memref<40x8xf32, #tpu.memory_space<hbm>>, %arg8: memref<10240x128xf32, #tpu.memory_space<hbm>>, %arg9: memref<10240x128xf32, #tpu.memory_space<hbm>>, %arg10: memref<500x40xi32, #tpu.memory_space<vmem>>, %arg11: memref<500x40xi32, #tpu.memory_space<vmem>>, %arg12: memref<5x40x64xf32, #tpu.memory_space<vmem>>, %arg13: memref<5x40x64xf32, #tpu.memory_space<vmem>>, %arg14: memref<40x8xf32, #tpu.memory_space<vmem>>, %arg15: memref<10240x64xf32, #tpu.memory_space<vmem_shared>>, %arg16: memref<10240x8xf32, #tpu.memory_space<vmem_shared>>, %arg17: memref<!tpu.dma_semaphore, #tpu.memory_space<semaphore_mem>>, %arg18: memref<!tpu.dma_semaphore, #tpu.memory_space<semaphore_mem>>, %arg19: memref<!tpu.dma_semaphore, #tpu.memory_space<semaphore_mem>>) attributes {dimension_semantics = [#tpu.dimension_semantics<core_parallel>, #tpu.dimension_semantics<subcore_parallel>], iteration_bounds = array<i64: 2, 16>, scalar_prefetch = 0 : i64, scratch_operands = 10 : i64, tpu.core_type = #tpu.core_type<sc_vector_subcore>, window_params = [{transform_indices = #map}, {transform_indices = #map1}, {transform_indices = #map1}, {transform_indices = #map}, {transform_indices = #map}, {transform_indices = #map}, {transform_indices = #map}, {transform_indices = #map}]} {
    %mul3A = arith.constant 640 : i32
    %mul3A_0 = arith.muli %arg1, %mul3A : i32
    %mul3A_1 = arith.constant 20000 : i32
    %mul3A_2 = arith.muli %arg1, %mul3A_1 : i32
    %broadcast_in_dim3A = arith.constant 0 : i32
    %broadcast_in_dim3A_3 = vector.broadcast %broadcast_in_dim3A : i32 to vector<16xi32>
    %add3A = vector.broadcast %arg0 : i32 to vector<16xi32>
    %add3A_4 = arith.addi %broadcast_in_dim3A_3, %add3A : vector<16xi32>
    "tpu.region"() ({
      %run_scoped3A = tpu.sem_alloc : memref<!tpu.dma_semaphore, #tpu.memory_space<semaphore_mem>>
      %dma_start3A_209 = arith.constant 0 : i32
      %dma_start3A_210 = tpu.memref_slice %arg15[%mul3A_0, %dma_start3A_209] : memref<10240x64xf32, #tpu.memory_space<vmem_shared>> -> memref<640x64xf32, #tpu.memory_space<vmem_shared>>
      %dma_start3A_211 = arith.constant 0 : i32
      %dma_start3A_212 = tpu.memref_slice %arg5[%mul3A_0, %dma_start3A_211] : memref<10240x64xf32, #tpu.memory_space<hbm>> -> memref<640x64xf32, #tpu.memory_space<hbm>>
      tpu.enqueue_dma source(%dma_start3A_212 : memref<640x64xf32, #tpu.memory_space<hbm>>) target(%dma_start3A_210 : memref<640x64xf32, #tpu.memory_space<vmem_shared>>) target_semaphore(%run_scoped3A : memref<!tpu.dma_semaphore, #tpu.memory_space<semaphore_mem>>)
      %dma_wait3A_213 = arith.constant 0 : i32
      %dma_wait3A_214 = tpu.memref_slice %arg15[%mul3A_0, %dma_wait3A_213] : memref<10240x64xf32, #tpu.memory_space<vmem_shared>> -> memref<640x64xf32, #tpu.memory_space<vmem_shared>>
      %dma_wait3A_215 = arith.constant 0 : i32
      %dma_wait3A_216 = tpu.memref_slice %arg5[%mul3A_0, %dma_wait3A_215] : memref<10240x64xf32, #tpu.memory_space<hbm>> -> memref<640x64xf32, #tpu.memory_space<hbm>>
      tpu.wait_dma2 semaphore(%run_scoped3A : memref<!tpu.dma_semaphore, #tpu.memory_space<semaphore_mem>>) src(%dma_wait3A_216 : memref<640x64xf32, #tpu.memory_space<hbm>>) dst(%dma_wait3A_214 : memref<640x64xf32, #tpu.memory_space<vmem_shared>>)
      tpu.yield
    }) : () -> ()
    "tpu.region"() ({
      %run_scoped3A = tpu.sem_alloc : memref<!tpu.dma_semaphore, #tpu.memory_space<semaphore_mem>>
      %dma_start3A_209 = arith.constant 0 : i32
      %dma_start3A_210 = tpu.memref_slice %arg16[%mul3A_0, %dma_start3A_209] : memref<10240x8xf32, #tpu.memory_space<vmem_shared>> -> memref<640x8xf32, #tpu.memory_space<vmem_shared>>
      %dma_start3A_211 = arith.constant 0 : i32
      %dma_start3A_212 = tpu.memref_slice %arg6[%mul3A_0, %dma_start3A_211] : memref<10240x8xf32, #tpu.memory_space<hbm>> -> memref<640x8xf32, #tpu.memory_space<hbm>>
      tpu.enqueue_dma source(%dma_start3A_212 : memref<640x8xf32, #tpu.memory_space<hbm>>) target(%dma_start3A_210 : memref<640x8xf32, #tpu.memory_space<vmem_shared>>) target_semaphore(%run_scoped3A : memref<!tpu.dma_semaphore, #tpu.memory_space<semaphore_mem>>)
      %dma_wait3A_213 = arith.constant 0 : i32
      %dma_wait3A_214 = tpu.memref_slice %arg16[%mul3A_0, %dma_wait3A_213] : memref<10240x8xf32, #tpu.memory_space<vmem_shared>> -> memref<640x8xf32, #tpu.memory_space<vmem_shared>>
      %dma_wait3A_215 = arith.constant 0 : i32
      %dma_wait3A_216 = tpu.memref_slice %arg6[%mul3A_0, %dma_wait3A_215] : memref<10240x8xf32, #tpu.memory_space<hbm>> -> memref<640x8xf32, #tpu.memory_space<hbm>>
      tpu.wait_dma2 semaphore(%run_scoped3A : memref<!tpu.dma_semaphore, #tpu.memory_space<semaphore_mem>>) src(%dma_wait3A_216 : memref<640x8xf32, #tpu.memory_space<hbm>>) dst(%dma_wait3A_214 : memref<640x8xf32, #tpu.memory_space<vmem_shared>>)
      tpu.yield
    }) : () -> ()
    "tpu.region"() ({
      %run_scoped3A = tpu.sem_alloc : memref<!tpu.dma_semaphore, #tpu.memory_space<semaphore_mem>>
      %dma_start3A_209 = arith.constant 0 : i32
      %dma_start3A_210 = arith.constant 0 : i32
      %dma_start3A_211 = tpu.memref_slice %arg3[%arg1, %dma_start3A_209, %dma_start3A_210] : memref<16x500x40xi32, #tpu.memory_space<hbm>> -> memref<1x500x40xi32, #tpu.memory_space<hbm>>
      %dma_start3A_212 = tpu.memref_squeeze %dma_start3A_211 : memref<1x500x40xi32, #tpu.memory_space<hbm>> -> memref<500x40xi32, #tpu.memory_space<hbm>>
      %dma_start3A_213 = arith.constant 0 : i32
      %dma_start3A_214 = arith.constant 0 : i32
      %dma_start3A_215 = tpu.memref_slice %arg3[%arg1, %dma_start3A_213, %dma_start3A_214] : memref<16x500x40xi32, #tpu.memory_space<hbm>> -> memref<1x500x40xi32, #tpu.memory_space<hbm>>
      %dma_start3A_216 = tpu.memref_squeeze %dma_start3A_215 : memref<1x500x40xi32, #tpu.memory_space<hbm>> -> memref<500x40xi32, #tpu.memory_space<hbm>>
      tpu.enqueue_dma source(%dma_start3A_216 : memref<500x40xi32, #tpu.memory_space<hbm>>) target(%arg10 : memref<500x40xi32, #tpu.memory_space<vmem>>) target_semaphore(%run_scoped3A : memref<!tpu.dma_semaphore, #tpu.memory_space<semaphore_mem>>)
      %dma_wait3A_217 = arith.constant 0 : i32
      %dma_wait3A_218 = arith.constant 0 : i32
      %dma_wait3A_219 = tpu.memref_slice %arg3[%arg1, %dma_wait3A_217, %dma_wait3A_218] : memref<16x500x40xi32, #tpu.memory_space<hbm>> -> memref<1x500x40xi32, #tpu.memory_space<hbm>>
      %dma_wait3A_220 = tpu.memref_squeeze %dma_wait3A_219 : memref<1x500x40xi32, #tpu.memory_space<hbm>> -> memref<500x40xi32, #tpu.memory_space<hbm>>
      %dma_wait3A_221 = arith.constant 0 : i32
      %dma_wait3A_222 = arith.constant 0 : i32
      %dma_wait3A_223 = tpu.memref_slice %arg3[%arg1, %dma_wait3A_221, %dma_wait3A_222] : memref<16x500x40xi32, #tpu.memory_space<hbm>> -> memref<1x500x40xi32, #tpu.memory_space<hbm>>
      %dma_wait3A_224 = tpu.memref_squeeze %dma_wait3A_223 : memref<1x500x40xi32, #tpu.memory_space<hbm>> -> memref<500x40xi32, #tpu.memory_space<hbm>>
      tpu.wait_dma2 semaphore(%run_scoped3A : memref<!tpu.dma_semaphore, #tpu.memory_space<semaphore_mem>>) src(%dma_wait3A_224 : memref<500x40xi32, #tpu.memory_space<hbm>>) dst(%arg10 : memref<500x40xi32, #tpu.memory_space<vmem>>)
      tpu.yield
    }) : () -> ()
    "tpu.region"() ({
      %run_scoped3A = tpu.sem_alloc : memref<!tpu.dma_semaphore, #tpu.memory_space<semaphore_mem>>
      %dma_start3A_209 = arith.constant 0 : i32
      %dma_start3A_210 = arith.constant 0 : i32
      %dma_start3A_211 = tpu.memref_slice %arg4[%arg1, %dma_start3A_209, %dma_start3A_210] : memref<16x500x40xi32, #tpu.memory_space<hbm>> -> memref<1x500x40xi32, #tpu.memory_space<hbm>>
      %dma_start3A_212 = tpu.memref_squeeze %dma_start3A_211 : memref<1x500x40xi32, #tpu.memory_space<hbm>> -> memref<500x40xi32, #tpu.memory_space<hbm>>
      %dma_start3A_213 = arith.constant 0 : i32
      %dma_start3A_214 = arith.constant 0 : i32
      %dma_start3A_215 = tpu.memref_slice %arg4[%arg1, %dma_start3A_213, %dma_start3A_214] : memref<16x500x40xi32, #tpu.memory_space<hbm>> -> memref<1x500x40xi32, #tpu.memory_space<hbm>>
      %dma_start3A_216 = tpu.memref_squeeze %dma_start3A_215 : memref<1x500x40xi32, #tpu.memory_space<hbm>> -> memref<500x40xi32, #tpu.memory_space<hbm>>
      tpu.enqueue_dma source(%dma_start3A_216 : memref<500x40xi32, #tpu.memory_space<hbm>>) target(%arg11 : memref<500x40xi32, #tpu.memory_space<vmem>>) target_semaphore(%run_scoped3A : memref<!tpu.dma_semaphore, #tpu.memory_space<semaphore_mem>>)
      %dma_wait3A_217 = arith.constant 0 : i32
      %dma_wait3A_218 = arith.constant 0 : i32
      %dma_wait3A_219 = tpu.memref_slice %arg4[%arg1, %dma_wait3A_217, %dma_wait3A_218] : memref<16x500x40xi32, #tpu.memory_space<hbm>> -> memref<1x500x40xi32, #tpu.memory_space<hbm>>
      %dma_wait3A_220 = tpu.memref_squeeze %dma_wait3A_219 : memref<1x500x40xi32, #tpu.memory_space<hbm>> -> memref<500x40xi32, #tpu.memory_space<hbm>>
      %dma_wait3A_221 = arith.constant 0 : i32
      %dma_wait3A_222 = arith.constant 0 : i32
      %dma_wait3A_223 = tpu.memref_slice %arg4[%arg1, %dma_wait3A_221, %dma_wait3A_222] : memref<16x500x40xi32, #tpu.memory_space<hbm>> -> memref<1x500x40xi32, #tpu.memory_space<hbm>>
      %dma_wait3A_224 = tpu.memref_squeeze %dma_wait3A_223 : memref<1x500x40xi32, #tpu.memory_space<hbm>> -> memref<500x40xi32, #tpu.memory_space<hbm>>
      tpu.wait_dma2 semaphore(%run_scoped3A : memref<!tpu.dma_semaphore, #tpu.memory_space<semaphore_mem>>) src(%dma_wait3A_224 : memref<500x40xi32, #tpu.memory_space<hbm>>) dst(%arg11 : memref<500x40xi32, #tpu.memory_space<vmem>>)
      tpu.yield
    }) : () -> ()
    "tpu.region"() ({
      %run_scoped3A = tpu.sem_alloc : memref<!tpu.dma_semaphore, #tpu.memory_space<semaphore_mem>>
      tpu.enqueue_dma source(%arg7 : memref<40x8xf32, #tpu.memory_space<hbm>>) target(%arg14 : memref<40x8xf32, #tpu.memory_space<vmem>>) target_semaphore(%run_scoped3A : memref<!tpu.dma_semaphore, #tpu.memory_space<semaphore_mem>>)
      tpu.wait_dma2 semaphore(%run_scoped3A : memref<!tpu.dma_semaphore, #tpu.memory_space<semaphore_mem>>) src(%arg7 : memref<40x8xf32, #tpu.memory_space<hbm>>) dst(%arg14 : memref<40x8xf32, #tpu.memory_space<vmem>>)
      tpu.yield
    }) : () -> ()
    %barrier3A = arith.constant 0 : index
    tpu.barrier barrier_id(%barrier3A)
    %dma_start3A = arith.constant 0 : i32
    %dma_start3A_5 = arith.constant 0 : i32
    %dma_start3A_6 = arith.constant 0 : i32
    %dma_start3A_7 = arith.constant 0 : i32
    %dma_start3A_8 = tpu.memref_slice %arg12[%dma_start3A_5, %dma_start3A_6, %dma_start3A_7] : memref<5x40x64xf32, #tpu.memory_space<vmem>> -> memref<1x40x64xf32, #tpu.memory_space<vmem>>
    %dma_start3A_9 = tpu.memref_squeeze %dma_start3A_8 : memref<1x40x64xf32, #tpu.memory_space<vmem>> -> memref<40x64xf32, #tpu.memory_space<vmem>>
    %dma_start3A_10 = arith.constant 0 : i32
    %dma_start3A_11 = tpu.memref_slice %arg10[%dma_start3A, %dma_start3A_10] : memref<500x40xi32, #tpu.memory_space<vmem>> -> memref<1x40xi32, #tpu.memory_space<vmem>>
    %dma_start3A_12 = tpu.memref_squeeze %dma_start3A_11 : memref<1x40xi32, #tpu.memory_space<vmem>> -> memref<40xi32, #tpu.memory_space<vmem>>
    %dma_start3A_13 = arith.constant 0 : i32
    %dma_start3A_14 = tpu.memref_slice %arg2[%arg0, %dma_start3A_13] : memref<20000x64xf32, #tpu.memory_space<hbm>> -> memref<19999x64xf32, #tpu.memory_space<hbm>>
    %dma_start3A_15 = arith.constant 0 : i32
    %dma_start3A_16 = arith.constant 0 : i32
    %dma_start3A_17 = tpu.memref_slice %dma_start3A_14[%dma_start3A_15, %dma_start3A_16] : memref<19999x64xf32, #tpu.memory_space<hbm>> -> memref<19999x64xf32, #tpu.memory_space<hbm>>
    tpu.enqueue_indirect_dma source(%dma_start3A_17 : memref<19999x64xf32, #tpu.memory_space<hbm>>) target(%dma_start3A_9 : memref<40x64xf32, #tpu.memory_space<vmem>>) offsets(%dma_start3A_12 : memref<40xi32, #tpu.memory_space<vmem>>) semaphore(%arg17 : memref<!tpu.dma_semaphore, #tpu.memory_space<semaphore_mem>>)
    %dma_start3A_18 = arith.constant 1 : i32
    %dma_start3A_19 = arith.constant 1 : i32
    %dma_start3A_20 = arith.constant 0 : i32
    %dma_start3A_21 = arith.constant 0 : i32
    %dma_start3A_22 = tpu.memref_slice %arg12[%dma_start3A_19, %dma_start3A_20, %dma_start3A_21] : memref<5x40x64xf32, #tpu.memory_space<vmem>> -> memref<1x40x64xf32, #tpu.memory_space<vmem>>
    %dma_start3A_23 = tpu.memref_squeeze %dma_start3A_22 : memref<1x40x64xf32, #tpu.memory_space<vmem>> -> memref<40x64xf32, #tpu.memory_space<vmem>>
    %dma_start3A_24 = arith.constant 0 : i32
    %dma_start3A_25 = tpu.memref_slice %arg10[%dma_start3A_18, %dma_start3A_24] : memref<500x40xi32, #tpu.memory_space<vmem>> -> memref<1x40xi32, #tpu.memory_space<vmem>>
    %dma_start3A_26 = tpu.memref_squeeze %dma_start3A_25 : memref<1x40xi32, #tpu.memory_space<vmem>> -> memref<40xi32, #tpu.memory_space<vmem>>
    %dma_start3A_27 = arith.constant 0 : i32
    %dma_start3A_28 = tpu.memref_slice %arg2[%arg0, %dma_start3A_27] : memref<20000x64xf32, #tpu.memory_space<hbm>> -> memref<19999x64xf32, #tpu.memory_space<hbm>>
    %dma_start3A_29 = arith.constant 0 : i32
    %dma_start3A_30 = arith.constant 0 : i32
    %dma_start3A_31 = tpu.memref_slice %dma_start3A_28[%dma_start3A_29, %dma_start3A_30] : memref<19999x64xf32, #tpu.memory_space<hbm>> -> memref<19999x64xf32, #tpu.memory_space<hbm>>
    tpu.enqueue_indirect_dma source(%dma_start3A_31 : memref<19999x64xf32, #tpu.memory_space<hbm>>) target(%dma_start3A_23 : memref<40x64xf32, #tpu.memory_space<vmem>>) offsets(%dma_start3A_26 : memref<40xi32, #tpu.memory_space<vmem>>) semaphore(%arg17 : memref<!tpu.dma_semaphore, #tpu.memory_space<semaphore_mem>>)
    %dma_start3A_32 = arith.constant 2 : i32
    %dma_start3A_33 = arith.constant 2 : i32
    %dma_start3A_34 = arith.constant 0 : i32
    %dma_start3A_35 = arith.constant 0 : i32
    %dma_start3A_36 = tpu.memref_slice %arg12[%dma_start3A_33, %dma_start3A_34, %dma_start3A_35] : memref<5x40x64xf32, #tpu.memory_space<vmem>> -> memref<1x40x64xf32, #tpu.memory_space<vmem>>
    %dma_start3A_37 = tpu.memref_squeeze %dma_start3A_36 : memref<1x40x64xf32, #tpu.memory_space<vmem>> -> memref<40x64xf32, #tpu.memory_space<vmem>>
    %dma_start3A_38 = arith.constant 0 : i32
    %dma_start3A_39 = tpu.memref_slice %arg10[%dma_start3A_32, %dma_start3A_38] : memref<500x40xi32, #tpu.memory_space<vmem>> -> memref<1x40xi32, #tpu.memory_space<vmem>>
    %dma_start3A_40 = tpu.memref_squeeze %dma_start3A_39 : memref<1x40xi32, #tpu.memory_space<vmem>> -> memref<40xi32, #tpu.memory_space<vmem>>
    %dma_start3A_41 = arith.constant 0 : i32
    %dma_start3A_42 = tpu.memref_slice %arg2[%arg0, %dma_start3A_41] : memref<20000x64xf32, #tpu.memory_space<hbm>> -> memref<19999x64xf32, #tpu.memory_space<hbm>>
    %dma_start3A_43 = arith.constant 0 : i32
    %dma_start3A_44 = arith.constant 0 : i32
    %dma_start3A_45 = tpu.memref_slice %dma_start3A_42[%dma_start3A_43, %dma_start3A_44] : memref<19999x64xf32, #tpu.memory_space<hbm>> -> memref<19999x64xf32, #tpu.memory_space<hbm>>
    tpu.enqueue_indirect_dma source(%dma_start3A_45 : memref<19999x64xf32, #tpu.memory_space<hbm>>) target(%dma_start3A_37 : memref<40x64xf32, #tpu.memory_space<vmem>>) offsets(%dma_start3A_40 : memref<40xi32, #tpu.memory_space<vmem>>) semaphore(%arg17 : memref<!tpu.dma_semaphore, #tpu.memory_space<semaphore_mem>>)
    %dma_start3A_46 = arith.constant 3 : i32
    %dma_start3A_47 = arith.constant 3 : i32
    %dma_start3A_48 = arith.constant 0 : i32
    %dma_start3A_49 = arith.constant 0 : i32
    %dma_start3A_50 = tpu.memref_slice %arg12[%dma_start3A_47, %dma_start3A_48, %dma_start3A_49] : memref<5x40x64xf32, #tpu.memory_space<vmem>> -> memref<1x40x64xf32, #tpu.memory_space<vmem>>
    %dma_start3A_51 = tpu.memref_squeeze %dma_start3A_50 : memref<1x40x64xf32, #tpu.memory_space<vmem>> -> memref<40x64xf32, #tpu.memory_space<vmem>>
    %dma_start3A_52 = arith.constant 0 : i32
    %dma_start3A_53 = tpu.memref_slice %arg10[%dma_start3A_46, %dma_start3A_52] : memref<500x40xi32, #tpu.memory_space<vmem>> -> memref<1x40xi32, #tpu.memory_space<vmem>>
    %dma_start3A_54 = tpu.memref_squeeze %dma_start3A_53 : memref<1x40xi32, #tpu.memory_space<vmem>> -> memref<40xi32, #tpu.memory_space<vmem>>
    %dma_start3A_55 = arith.constant 0 : i32
    %dma_start3A_56 = tpu.memref_slice %arg2[%arg0, %dma_start3A_55] : memref<20000x64xf32, #tpu.memory_space<hbm>> -> memref<19999x64xf32, #tpu.memory_space<hbm>>
    %dma_start3A_57 = arith.constant 0 : i32
    %dma_start3A_58 = arith.constant 0 : i32
    %dma_start3A_59 = tpu.memref_slice %dma_start3A_56[%dma_start3A_57, %dma_start3A_58] : memref<19999x64xf32, #tpu.memory_space<hbm>> -> memref<19999x64xf32, #tpu.memory_space<hbm>>
    tpu.enqueue_indirect_dma source(%dma_start3A_59 : memref<19999x64xf32, #tpu.memory_space<hbm>>) target(%dma_start3A_51 : memref<40x64xf32, #tpu.memory_space<vmem>>) offsets(%dma_start3A_54 : memref<40xi32, #tpu.memory_space<vmem>>) semaphore(%arg17 : memref<!tpu.dma_semaphore, #tpu.memory_space<semaphore_mem>>)
    %dma_start3A_60 = arith.constant 4 : i32
    %dma_start3A_61 = arith.constant 4 : i32
    %dma_start3A_62 = arith.constant 0 : i32
    %dma_start3A_63 = arith.constant 0 : i32
    %dma_start3A_64 = tpu.memref_slice %arg12[%dma_start3A_61, %dma_start3A_62, %dma_start3A_63] : memref<5x40x64xf32, #tpu.memory_space<vmem>> -> memref<1x40x64xf32, #tpu.memory_space<vmem>>
    %dma_start3A_65 = tpu.memref_squeeze %dma_start3A_64 : memref<1x40x64xf32, #tpu.memory_space<vmem>> -> memref<40x64xf32, #tpu.memory_space<vmem>>
    %dma_start3A_66 = arith.constant 0 : i32
    %dma_start3A_67 = tpu.memref_slice %arg10[%dma_start3A_60, %dma_start3A_66] : memref<500x40xi32, #tpu.memory_space<vmem>> -> memref<1x40xi32, #tpu.memory_space<vmem>>
    %dma_start3A_68 = tpu.memref_squeeze %dma_start3A_67 : memref<1x40xi32, #tpu.memory_space<vmem>> -> memref<40xi32, #tpu.memory_space<vmem>>
    %dma_start3A_69 = arith.constant 0 : i32
    %dma_start3A_70 = tpu.memref_slice %arg2[%arg0, %dma_start3A_69] : memref<20000x64xf32, #tpu.memory_space<hbm>> -> memref<19999x64xf32, #tpu.memory_space<hbm>>
    %dma_start3A_71 = arith.constant 0 : i32
    %dma_start3A_72 = arith.constant 0 : i32
    %dma_start3A_73 = tpu.memref_slice %dma_start3A_70[%dma_start3A_71, %dma_start3A_72] : memref<19999x64xf32, #tpu.memory_space<hbm>> -> memref<19999x64xf32, #tpu.memory_space<hbm>>
    tpu.enqueue_indirect_dma source(%dma_start3A_73 : memref<19999x64xf32, #tpu.memory_space<hbm>>) target(%dma_start3A_65 : memref<40x64xf32, #tpu.memory_space<vmem>>) offsets(%dma_start3A_68 : memref<40xi32, #tpu.memory_space<vmem>>) semaphore(%arg17 : memref<!tpu.dma_semaphore, #tpu.memory_space<semaphore_mem>>)
    %scan3A = arith.constant 0 : i32
    %scan3A_74 = arith.constant 0 : i32
    %scan3A_75 = arith.constant 50 : i32
    %scan3A_76 = arith.addi %scan3A_74, %scan3A_75 : i32
    %scan3A_77 = arith.constant 1 : i32
    scf.for %scan3A_209 = %scan3A_74 to %scan3A_76 step %scan3A_77  : i32 {
      %mul3A_210 = arith.constant 2 : i32
      %mul3A_211 = arith.muli %mul3A_210, %scan3A_209 : i32
      %gt3A = arith.constant 0 : i32
      %gt3A_212 = arith.cmpi sgt, %scan3A_209, %gt3A : i32
      %convert_element_type3A = arith.extui %gt3A_212 : i1 to i32
      %cond3A = arith.constant 0 : i32
      %cond3A_213 = arith.cmpi ne, %convert_element_type3A, %cond3A : i32
      scf.if %cond3A_213 {
        %sub3A = arith.constant 1 : i32
        %sub3A_650 = arith.subi %mul3A_211, %sub3A : i32
        %mul3A_651 = arith.constant 5 : i32
        %mul3A_652 = arith.muli %sub3A_650, %mul3A_651 : i32
        %add3A_653 = arith.constant 0 : i32
        %add3A_654 = arith.addi %mul3A_652, %add3A_653 : i32
        %dma_wait3A_655 = arith.constant 0 : i32
        %dma_wait3A_656 = arith.constant 0 : i32
        %dma_wait3A_657 = arith.constant 0 : i32
        %dma_wait3A_658 = tpu.memref_slice %arg13[%dma_wait3A_655, %dma_wait3A_656, %dma_wait3A_657] : memref<5x40x64xf32, #tpu.memory_space<vmem>> -> memref<1x40x64xf32, #tpu.memory_space<vmem>>
        %dma_wait3A_659 = tpu.memref_squeeze %dma_wait3A_658 : memref<1x40x64xf32, #tpu.memory_space<vmem>> -> memref<40x64xf32, #tpu.memory_space<vmem>>
        %dma_wait3A_660 = arith.constant 0 : i32
        %dma_wait3A_661 = tpu.memref_slice %arg11[%add3A_654, %dma_wait3A_660] : memref<500x40xi32, #tpu.memory_space<vmem>> -> memref<1x40xi32, #tpu.memory_space<vmem>>
        %dma_wait3A_662 = tpu.memref_squeeze %dma_wait3A_661 : memref<1x40xi32, #tpu.memory_space<vmem>> -> memref<40xi32, #tpu.memory_space<vmem>>
        %dma_wait3A_663 = arith.constant 0 : i32
        %dma_wait3A_664 = arith.constant 0 : i32
        %dma_wait3A_665 = tpu.memref_slice %arg15[%dma_wait3A_663, %dma_wait3A_664] : memref<10240x64xf32, #tpu.memory_space<vmem_shared>> -> memref<10240x64xf32, #tpu.memory_space<vmem_shared>>
        tpu.wait_indirect_dma semaphore(%arg18 : memref<!tpu.dma_semaphore, #tpu.memory_space<semaphore_mem>>) src(%dma_wait3A_659 : memref<40x64xf32, #tpu.memory_space<vmem>>) dst(%dma_wait3A_665 : memref<10240x64xf32, #tpu.memory_space<vmem_shared>>)
        %mul3A_666 = arith.constant 5 : i32
        %mul3A_667 = arith.muli %sub3A_650, %mul3A_666 : i32
        %add3A_668 = arith.constant 1 : i32
        %add3A_669 = arith.addi %mul3A_667, %add3A_668 : i32
        %dma_wait3A_670 = arith.constant 1 : i32
        %dma_wait3A_671 = arith.constant 0 : i32
        %dma_wait3A_672 = arith.constant 0 : i32
        %dma_wait3A_673 = tpu.memref_slice %arg13[%dma_wait3A_670, %dma_wait3A_671, %dma_wait3A_672] : memref<5x40x64xf32, #tpu.memory_space<vmem>> -> memref<1x40x64xf32, #tpu.memory_space<vmem>>
        %dma_wait3A_674 = tpu.memref_squeeze %dma_wait3A_673 : memref<1x40x64xf32, #tpu.memory_space<vmem>> -> memref<40x64xf32, #tpu.memory_space<vmem>>
        %dma_wait3A_675 = arith.constant 0 : i32
        %dma_wait3A_676 = tpu.memref_slice %arg11[%add3A_669, %dma_wait3A_675] : memref<500x40xi32, #tpu.memory_space<vmem>> -> memref<1x40xi32, #tpu.memory_space<vmem>>
        %dma_wait3A_677 = tpu.memref_squeeze %dma_wait3A_676 : memref<1x40xi32, #tpu.memory_space<vmem>> -> memref<40xi32, #tpu.memory_space<vmem>>
        %dma_wait3A_678 = arith.constant 0 : i32
        %dma_wait3A_679 = arith.constant 0 : i32
        %dma_wait3A_680 = tpu.memref_slice %arg15[%dma_wait3A_678, %dma_wait3A_679] : memref<10240x64xf32, #tpu.memory_space<vmem_shared>> -> memref<10240x64xf32, #tpu.memory_space<vmem_shared>>
        tpu.wait_indirect_dma semaphore(%arg18 : memref<!tpu.dma_semaphore, #tpu.memory_space<semaphore_mem>>) src(%dma_wait3A_674 : memref<40x64xf32, #tpu.memory_space<vmem>>) dst(%dma_wait3A_680 : memref<10240x64xf32, #tpu.memory_space<vmem_shared>>)
        %mul3A_681 = arith.constant 5 : i32
        %mul3A_682 = arith.muli %sub3A_650, %mul3A_681 : i32
        %add3A_683 = arith.constant 2 : i32
        %add3A_684 = arith.addi %mul3A_682, %add3A_683 : i32
        %dma_wait3A_685 = arith.constant 2 : i32
        %dma_wait3A_686 = arith.constant 0 : i32
        %dma_wait3A_687 = arith.constant 0 : i32
        %dma_wait3A_688 = tpu.memref_slice %arg13[%dma_wait3A_685, %dma_wait3A_686, %dma_wait3A_687] : memref<5x40x64xf32, #tpu.memory_space<vmem>> -> memref<1x40x64xf32, #tpu.memory_space<vmem>>
        %dma_wait3A_689 = tpu.memref_squeeze %dma_wait3A_688 : memref<1x40x64xf32, #tpu.memory_space<vmem>> -> memref<40x64xf32, #tpu.memory_space<vmem>>
        %dma_wait3A_690 = arith.constant 0 : i32
        %dma_wait3A_691 = tpu.memref_slice %arg11[%add3A_684, %dma_wait3A_690] : memref<500x40xi32, #tpu.memory_space<vmem>> -> memref<1x40xi32, #tpu.memory_space<vmem>>
        %dma_wait3A_692 = tpu.memref_squeeze %dma_wait3A_691 : memref<1x40xi32, #tpu.memory_space<vmem>> -> memref<40xi32, #tpu.memory_space<vmem>>
        %dma_wait3A_693 = arith.constant 0 : i32
        %dma_wait3A_694 = arith.constant 0 : i32
        %dma_wait3A_695 = tpu.memref_slice %arg15[%dma_wait3A_693, %dma_wait3A_694] : memref<10240x64xf32, #tpu.memory_space<vmem_shared>> -> memref<10240x64xf32, #tpu.memory_space<vmem_shared>>
        tpu.wait_indirect_dma semaphore(%arg18 : memref<!tpu.dma_semaphore, #tpu.memory_space<semaphore_mem>>) src(%dma_wait3A_689 : memref<40x64xf32, #tpu.memory_space<vmem>>) dst(%dma_wait3A_695 : memref<10240x64xf32, #tpu.memory_space<vmem_shared>>)
        %mul3A_696 = arith.constant 5 : i32
        %mul3A_697 = arith.muli %sub3A_650, %mul3A_696 : i32
        %add3A_698 = arith.constant 3 : i32
        %add3A_699 = arith.addi %mul3A_697, %add3A_698 : i32
        %dma_wait3A_700 = arith.constant 3 : i32
        %dma_wait3A_701 = arith.constant 0 : i32
        %dma_wait3A_702 = arith.constant 0 : i32
        %dma_wait3A_703 = tpu.memref_slice %arg13[%dma_wait3A_700, %dma_wait3A_701, %dma_wait3A_702] : memref<5x40x64xf32, #tpu.memory_space<vmem>> -> memref<1x40x64xf32, #tpu.memory_space<vmem>>
        %dma_wait3A_704 = tpu.memref_squeeze %dma_wait3A_703 : memref<1x40x64xf32, #tpu.memory_space<vmem>> -> memref<40x64xf32, #tpu.memory_space<vmem>>
        %dma_wait3A_705 = arith.constant 0 : i32
        %dma_wait3A_706 = tpu.memref_slice %arg11[%add3A_699, %dma_wait3A_705] : memref<500x40xi32, #tpu.memory_space<vmem>> -> memref<1x40xi32, #tpu.memory_space<vmem>>
        %dma_wait3A_707 = tpu.memref_squeeze %dma_wait3A_706 : memref<1x40xi32, #tpu.memory_space<vmem>> -> memref<40xi32, #tpu.memory_space<vmem>>
        %dma_wait3A_708 = arith.constant 0 : i32
        %dma_wait3A_709 = arith.constant 0 : i32
        %dma_wait3A_710 = tpu.memref_slice %arg15[%dma_wait3A_708, %dma_wait3A_709] : memref<10240x64xf32, #tpu.memory_space<vmem_shared>> -> memref<10240x64xf32, #tpu.memory_space<vmem_shared>>
        tpu.wait_indirect_dma semaphore(%arg18 : memref<!tpu.dma_semaphore, #tpu.memory_space<semaphore_mem>>) src(%dma_wait3A_704 : memref<40x64xf32, #tpu.memory_space<vmem>>) dst(%dma_wait3A_710 : memref<10240x64xf32, #tpu.memory_space<vmem_shared>>)
        %mul3A_711 = arith.constant 5 : i32
        %mul3A_712 = arith.muli %sub3A_650, %mul3A_711 : i32
        %add3A_713 = arith.constant 4 : i32
        %add3A_714 = arith.addi %mul3A_712, %add3A_713 : i32
        %dma_wait3A_715 = arith.constant 4 : i32
        %dma_wait3A_716 = arith.constant 0 : i32
        %dma_wait3A_717 = arith.constant 0 : i32
        %dma_wait3A_718 = tpu.memref_slice %arg13[%dma_wait3A_715, %dma_wait3A_716, %dma_wait3A_717] : memref<5x40x64xf32, #tpu.memory_space<vmem>> -> memref<1x40x64xf32, #tpu.memory_space<vmem>>
        %dma_wait3A_719 = tpu.memref_squeeze %dma_wait3A_718 : memref<1x40x64xf32, #tpu.memory_space<vmem>> -> memref<40x64xf32, #tpu.memory_space<vmem>>
        %dma_wait3A_720 = arith.constant 0 : i32
        %dma_wait3A_721 = tpu.memref_slice %arg11[%add3A_714, %dma_wait3A_720] : memref<500x40xi32, #tpu.memory_space<vmem>> -> memref<1x40xi32, #tpu.memory_space<vmem>>
        %dma_wait3A_722 = tpu.memref_squeeze %dma_wait3A_721 : memref<1x40xi32, #tpu.memory_space<vmem>> -> memref<40xi32, #tpu.memory_space<vmem>>
        %dma_wait3A_723 = arith.constant 0 : i32
        %dma_wait3A_724 = arith.constant 0 : i32
        %dma_wait3A_725 = tpu.memref_slice %arg15[%dma_wait3A_723, %dma_wait3A_724] : memref<10240x64xf32, #tpu.memory_space<vmem_shared>> -> memref<10240x64xf32, #tpu.memory_space<vmem_shared>>
        tpu.wait_indirect_dma semaphore(%arg18 : memref<!tpu.dma_semaphore, #tpu.memory_space<semaphore_mem>>) src(%dma_wait3A_719 : memref<40x64xf32, #tpu.memory_space<vmem>>) dst(%dma_wait3A_725 : memref<10240x64xf32, #tpu.memory_space<vmem_shared>>)
      } else {
      }
      %add3A_214 = arith.constant 1 : i32
      %add3A_215 = arith.addi %mul3A_211, %add3A_214 : i32
      %mul3A_216 = arith.constant 5 : i32
      %mul3A_217 = arith.muli %add3A_215, %mul3A_216 : i32
      %add3A_218 = arith.constant 0 : i32
      %add3A_219 = arith.addi %mul3A_217, %add3A_218 : i32
      %dma_start3A_220 = arith.constant 0 : i32
      %dma_start3A_221 = arith.constant 0 : i32
      %dma_start3A_222 = arith.constant 0 : i32
      %dma_start3A_223 = tpu.memref_slice %arg13[%dma_start3A_220, %dma_start3A_221, %dma_start3A_222] : memref<5x40x64xf32, #tpu.memory_space<vmem>> -> memref<1x40x64xf32, #tpu.memory_space<vmem>>
      %dma_start3A_224 = tpu.memref_squeeze %dma_start3A_223 : memref<1x40x64xf32, #tpu.memory_space<vmem>> -> memref<40x64xf32, #tpu.memory_space<vmem>>
      %dma_start3A_225 = arith.constant 0 : i32
      %dma_start3A_226 = tpu.memref_slice %arg10[%add3A_219, %dma_start3A_225] : memref<500x40xi32, #tpu.memory_space<vmem>> -> memref<1x40xi32, #tpu.memory_space<vmem>>
      %dma_start3A_227 = tpu.memref_squeeze %dma_start3A_226 : memref<1x40xi32, #tpu.memory_space<vmem>> -> memref<40xi32, #tpu.memory_space<vmem>>
      %dma_start3A_228 = arith.constant 0 : i32
      %dma_start3A_229 = tpu.memref_slice %arg2[%arg0, %dma_start3A_228] : memref<20000x64xf32, #tpu.memory_space<hbm>> -> memref<19999x64xf32, #tpu.memory_space<hbm>>
      %dma_start3A_230 = arith.constant 0 : i32
      %dma_start3A_231 = arith.constant 0 : i32
      %dma_start3A_232 = tpu.memref_slice %dma_start3A_229[%dma_start3A_230, %dma_start3A_231] : memref<19999x64xf32, #tpu.memory_space<hbm>> -> memref<19999x64xf32, #tpu.memory_space<hbm>>
      tpu.enqueue_indirect_dma source(%dma_start3A_232 : memref<19999x64xf32, #tpu.memory_space<hbm>>) target(%dma_start3A_224 : memref<40x64xf32, #tpu.memory_space<vmem>>) offsets(%dma_start3A_227 : memref<40xi32, #tpu.memory_space<vmem>>) semaphore(%arg17 : memref<!tpu.dma_semaphore, #tpu.memory_space<semaphore_mem>>)
      %mul3A_233 = arith.constant 5 : i32
      %mul3A_234 = arith.muli %add3A_215, %mul3A_233 : i32
      %add3A_235 = arith.constant 1 : i32
      %add3A_236 = arith.addi %mul3A_234, %add3A_235 : i32
      %dma_start3A_237 = arith.constant 1 : i32
      %dma_start3A_238 = arith.constant 0 : i32
      %dma_start3A_239 = arith.constant 0 : i32
      %dma_start3A_240 = tpu.memref_slice %arg13[%dma_start3A_237, %dma_start3A_238, %dma_start3A_239] : memref<5x40x64xf32, #tpu.memory_space<vmem>> -> memref<1x40x64xf32, #tpu.memory_space<vmem>>
      %dma_start3A_241 = tpu.memref_squeeze %dma_start3A_240 : memref<1x40x64xf32, #tpu.memory_space<vmem>> -> memref<40x64xf32, #tpu.memory_space<vmem>>
      %dma_start3A_242 = arith.constant 0 : i32
      %dma_start3A_243 = tpu.memref_slice %arg10[%add3A_236, %dma_start3A_242] : memref<500x40xi32, #tpu.memory_space<vmem>> -> memref<1x40xi32, #tpu.memory_space<vmem>>
      %dma_start3A_244 = tpu.memref_squeeze %dma_start3A_243 : memref<1x40xi32, #tpu.memory_space<vmem>> -> memref<40xi32, #tpu.memory_space<vmem>>
      %dma_start3A_245 = arith.constant 0 : i32
      %dma_start3A_246 = tpu.memref_slice %arg2[%arg0, %dma_start3A_245] : memref<20000x64xf32, #tpu.memory_space<hbm>> -> memref<19999x64xf32, #tpu.memory_space<hbm>>
      %dma_start3A_247 = arith.constant 0 : i32
      %dma_start3A_248 = arith.constant 0 : i32
      %dma_start3A_249 = tpu.memref_slice %dma_start3A_246[%dma_start3A_247, %dma_start3A_248] : memref<19999x64xf32, #tpu.memory_space<hbm>> -> memref<19999x64xf32, #tpu.memory_space<hbm>>
      tpu.enqueue_indirect_dma source(%dma_start3A_249 : memref<19999x64xf32, #tpu.memory_space<hbm>>) target(%dma_start3A_241 : memref<40x64xf32, #tpu.memory_space<vmem>>) offsets(%dma_start3A_244 : memref<40xi32, #tpu.memory_space<vmem>>) semaphore(%arg17 : memref<!tpu.dma_semaphore, #tpu.memory_space<semaphore_mem>>)
      %mul3A_250 = arith.constant 5 : i32
      %mul3A_251 = arith.muli %add3A_215, %mul3A_250 : i32
      %add3A_252 = arith.constant 2 : i32
      %add3A_253 = arith.addi %mul3A_251, %add3A_252 : i32
      %dma_start3A_254 = arith.constant 2 : i32
      %dma_start3A_255 = arith.constant 0 : i32
      %dma_start3A_256 = arith.constant 0 : i32
      %dma_start3A_257 = tpu.memref_slice %arg13[%dma_start3A_254, %dma_start3A_255, %dma_start3A_256] : memref<5x40x64xf32, #tpu.memory_space<vmem>> -> memref<1x40x64xf32, #tpu.memory_space<vmem>>
      %dma_start3A_258 = tpu.memref_squeeze %dma_start3A_257 : memref<1x40x64xf32, #tpu.memory_space<vmem>> -> memref<40x64xf32, #tpu.memory_space<vmem>>
      %dma_start3A_259 = arith.constant 0 : i32
      %dma_start3A_260 = tpu.memref_slice %arg10[%add3A_253, %dma_start3A_259] : memref<500x40xi32, #tpu.memory_space<vmem>> -> memref<1x40xi32, #tpu.memory_space<vmem>>
      %dma_start3A_261 = tpu.memref_squeeze %dma_start3A_260 : memref<1x40xi32, #tpu.memory_space<vmem>> -> memref<40xi32, #tpu.memory_space<vmem>>
      %dma_start3A_262 = arith.constant 0 : i32
      %dma_start3A_263 = tpu.memref_slice %arg2[%arg0, %dma_start3A_262] : memref<20000x64xf32, #tpu.memory_space<hbm>> -> memref<19999x64xf32, #tpu.memory_space<hbm>>
      %dma_start3A_264 = arith.constant 0 : i32
      %dma_start3A_265 = arith.constant 0 : i32
      %dma_start3A_266 = tpu.memref_slice %dma_start3A_263[%dma_start3A_264, %dma_start3A_265] : memref<19999x64xf32, #tpu.memory_space<hbm>> -> memref<19999x64xf32, #tpu.memory_space<hbm>>
      tpu.enqueue_indirect_dma source(%dma_start3A_266 : memref<19999x64xf32, #tpu.memory_space<hbm>>) target(%dma_start3A_258 : memref<40x64xf32, #tpu.memory_space<vmem>>) offsets(%dma_start3A_261 : memref<40xi32, #tpu.memory_space<vmem>>) semaphore(%arg17 : memref<!tpu.dma_semaphore, #tpu.memory_space<semaphore_mem>>)
      %mul3A_267 = arith.constant 5 : i32
      %mul3A_268 = arith.muli %add3A_215, %mul3A_267 : i32
      %add3A_269 = arith.constant 3 : i32
      %add3A_270 = arith.addi %mul3A_268, %add3A_269 : i32
      %dma_start3A_271 = arith.constant 3 : i32
      %dma_start3A_272 = arith.constant 0 : i32
      %dma_start3A_273 = arith.constant 0 : i32
      %dma_start3A_274 = tpu.memref_slice %arg13[%dma_start3A_271, %dma_start3A_272, %dma_start3A_273] : memref<5x40x64xf32, #tpu.memory_space<vmem>> -> memref<1x40x64xf32, #tpu.memory_space<vmem>>
      %dma_start3A_275 = tpu.memref_squeeze %dma_start3A_274 : memref<1x40x64xf32, #tpu.memory_space<vmem>> -> memref<40x64xf32, #tpu.memory_space<vmem>>
      %dma_start3A_276 = arith.constant 0 : i32
      %dma_start3A_277 = tpu.memref_slice %arg10[%add3A_270, %dma_start3A_276] : memref<500x40xi32, #tpu.memory_space<vmem>> -> memref<1x40xi32, #tpu.memory_space<vmem>>
      %dma_start3A_278 = tpu.memref_squeeze %dma_start3A_277 : memref<1x40xi32, #tpu.memory_space<vmem>> -> memref<40xi32, #tpu.memory_space<vmem>>
      %dma_start3A_279 = arith.constant 0 : i32
      %dma_start3A_280 = tpu.memref_slice %arg2[%arg0, %dma_start3A_279] : memref<20000x64xf32, #tpu.memory_space<hbm>> -> memref<19999x64xf32, #tpu.memory_space<hbm>>
      %dma_start3A_281 = arith.constant 0 : i32
      %dma_start3A_282 = arith.constant 0 : i32
      %dma_start3A_283 = tpu.memref_slice %dma_start3A_280[%dma_start3A_281, %dma_start3A_282] : memref<19999x64xf32, #tpu.memory_space<hbm>> -> memref<19999x64xf32, #tpu.memory_space<hbm>>
      tpu.enqueue_indirect_dma source(%dma_start3A_283 : memref<19999x64xf32, #tpu.memory_space<hbm>>) target(%dma_start3A_275 : memref<40x64xf32, #tpu.memory_space<vmem>>) offsets(%dma_start3A_278 : memref<40xi32, #tpu.memory_space<vmem>>) semaphore(%arg17 : memref<!tpu.dma_semaphore, #tpu.memory_space<semaphore_mem>>)
      %mul3A_284 = arith.constant 5 : i32
      %mul3A_285 = arith.muli %add3A_215, %mul3A_284 : i32
      %add3A_286 = arith.constant 4 : i32
      %add3A_287 = arith.addi %mul3A_285, %add3A_286 : i32
      %dma_start3A_288 = arith.constant 4 : i32
      %dma_start3A_289 = arith.constant 0 : i32
      %dma_start3A_290 = arith.constant 0 : i32
      %dma_start3A_291 = tpu.memref_slice %arg13[%dma_start3A_288, %dma_start3A_289, %dma_start3A_290] : memref<5x40x64xf32, #tpu.memory_space<vmem>> -> memref<1x40x64xf32, #tpu.memory_space<vmem>>
      %dma_start3A_292 = tpu.memref_squeeze %dma_start3A_291 : memref<1x40x64xf32, #tpu.memory_space<vmem>> -> memref<40x64xf32, #tpu.memory_space<vmem>>
      %dma_start3A_293 = arith.constant 0 : i32
      %dma_start3A_294 = tpu.memref_slice %arg10[%add3A_287, %dma_start3A_293] : memref<500x40xi32, #tpu.memory_space<vmem>> -> memref<1x40xi32, #tpu.memory_space<vmem>>
      %dma_start3A_295 = tpu.memref_squeeze %dma_start3A_294 : memref<1x40xi32, #tpu.memory_space<vmem>> -> memref<40xi32, #tpu.memory_space<vmem>>
      %dma_start3A_296 = arith.constant 0 : i32
      %dma_start3A_297 = tpu.memref_slice %arg2[%arg0, %dma_start3A_296] : memref<20000x64xf32, #tpu.memory_space<hbm>> -> memref<19999x64xf32, #tpu.memory_space<hbm>>
      %dma_start3A_298 = arith.constant 0 : i32
      %dma_start3A_299 = arith.constant 0 : i32
      %dma_start3A_300 = tpu.memref_slice %dma_start3A_297[%dma_start3A_298, %dma_start3A_299] : memref<19999x64xf32, #tpu.memory_space<hbm>> -> memref<19999x64xf32, #tpu.memory_space<hbm>>
      tpu.enqueue_indirect_dma source(%dma_start3A_300 : memref<19999x64xf32, #tpu.memory_space<hbm>>) target(%dma_start3A_292 : memref<40x64xf32, #tpu.memory_space<vmem>>) offsets(%dma_start3A_295 : memref<40xi32, #tpu.memory_space<vmem>>) semaphore(%arg17 : memref<!tpu.dma_semaphore, #tpu.memory_space<semaphore_mem>>)
      %mul3A_301 = arith.constant 5 : i32
      %mul3A_302 = arith.muli %mul3A_211, %mul3A_301 : i32
      %add3A_303 = arith.constant 0 : i32
      %add3A_304 = arith.addi %mul3A_302, %add3A_303 : i32
      %dma_wait3A_305 = arith.constant 0 : i32
      %dma_wait3A_306 = arith.constant 0 : i32
      %dma_wait3A_307 = arith.constant 0 : i32
      %dma_wait3A_308 = tpu.memref_slice %arg12[%dma_wait3A_305, %dma_wait3A_306, %dma_wait3A_307] : memref<5x40x64xf32, #tpu.memory_space<vmem>> -> memref<1x40x64xf32, #tpu.memory_space<vmem>>
      %dma_wait3A_309 = tpu.memref_squeeze %dma_wait3A_308 : memref<1x40x64xf32, #tpu.memory_space<vmem>> -> memref<40x64xf32, #tpu.memory_space<vmem>>
      %dma_wait3A_310 = arith.constant 0 : i32
      %dma_wait3A_311 = tpu.memref_slice %arg10[%add3A_304, %dma_wait3A_310] : memref<500x40xi32, #tpu.memory_space<vmem>> -> memref<1x40xi32, #tpu.memory_space<vmem>>
      %dma_wait3A_312 = tpu.memref_squeeze %dma_wait3A_311 : memref<1x40xi32, #tpu.memory_space<vmem>> -> memref<40xi32, #tpu.memory_space<vmem>>
      %dma_wait3A_313 = arith.constant 0 : i32
      %dma_wait3A_314 = tpu.memref_slice %arg2[%arg0, %dma_wait3A_313] : memref<20000x64xf32, #tpu.memory_space<hbm>> -> memref<19999x64xf32, #tpu.memory_space<hbm>>
      %dma_wait3A_315 = arith.constant 0 : i32
      %dma_wait3A_316 = arith.constant 0 : i32
      %dma_wait3A_317 = tpu.memref_slice %dma_wait3A_314[%dma_wait3A_315, %dma_wait3A_316] : memref<19999x64xf32, #tpu.memory_space<hbm>> -> memref<19999x64xf32, #tpu.memory_space<hbm>>
      tpu.wait_indirect_dma semaphore(%arg17 : memref<!tpu.dma_semaphore, #tpu.memory_space<semaphore_mem>>) src(%dma_wait3A_317 : memref<19999x64xf32, #tpu.memory_space<hbm>>) dst(%dma_wait3A_309 : memref<40x64xf32, #tpu.memory_space<vmem>>)
      %mul3A_318 = arith.constant 5 : i32
      %mul3A_319 = arith.muli %mul3A_211, %mul3A_318 : i32
      %add3A_320 = arith.constant 1 : i32
      %add3A_321 = arith.addi %mul3A_319, %add3A_320 : i32
      %dma_wait3A_322 = arith.constant 1 : i32
      %dma_wait3A_323 = arith.constant 0 : i32
      %dma_wait3A_324 = arith.constant 0 : i32
      %dma_wait3A_325 = tpu.memref_slice %arg12[%dma_wait3A_322, %dma_wait3A_323, %dma_wait3A_324] : memref<5x40x64xf32, #tpu.memory_space<vmem>> -> memref<1x40x64xf32, #tpu.memory_space<vmem>>
      %dma_wait3A_326 = tpu.memref_squeeze %dma_wait3A_325 : memref<1x40x64xf32, #tpu.memory_space<vmem>> -> memref<40x64xf32, #tpu.memory_space<vmem>>
      %dma_wait3A_327 = arith.constant 0 : i32
      %dma_wait3A_328 = tpu.memref_slice %arg10[%add3A_321, %dma_wait3A_327] : memref<500x40xi32, #tpu.memory_space<vmem>> -> memref<1x40xi32, #tpu.memory_space<vmem>>
      %dma_wait3A_329 = tpu.memref_squeeze %dma_wait3A_328 : memref<1x40xi32, #tpu.memory_space<vmem>> -> memref<40xi32, #tpu.memory_space<vmem>>
      %dma_wait3A_330 = arith.constant 0 : i32
      %dma_wait3A_331 = tpu.memref_slice %arg2[%arg0, %dma_wait3A_330] : memref<20000x64xf32, #tpu.memory_space<hbm>> -> memref<19999x64xf32, #tpu.memory_space<hbm>>
      %dma_wait3A_332 = arith.constant 0 : i32
      %dma_wait3A_333 = arith.constant 0 : i32
      %dma_wait3A_334 = tpu.memref_slice %dma_wait3A_331[%dma_wait3A_332, %dma_wait3A_333] : memref<19999x64xf32, #tpu.memory_space<hbm>> -> memref<19999x64xf32, #tpu.memory_space<hbm>>
      tpu.wait_indirect_dma semaphore(%arg17 : memref<!tpu.dma_semaphore, #tpu.memory_space<semaphore_mem>>) src(%dma_wait3A_334 : memref<19999x64xf32, #tpu.memory_space<hbm>>) dst(%dma_wait3A_326 : memref<40x64xf32, #tpu.memory_space<vmem>>)
      %mul3A_335 = arith.constant 5 : i32
      %mul3A_336 = arith.muli %mul3A_211, %mul3A_335 : i32
      %add3A_337 = arith.constant 2 : i32
      %add3A_338 = arith.addi %mul3A_336, %add3A_337 : i32
      %dma_wait3A_339 = arith.constant 2 : i32
      %dma_wait3A_340 = arith.constant 0 : i32
      %dma_wait3A_341 = arith.constant 0 : i32
      %dma_wait3A_342 = tpu.memref_slice %arg12[%dma_wait3A_339, %dma_wait3A_340, %dma_wait3A_341] : memref<5x40x64xf32, #tpu.memory_space<vmem>> -> memref<1x40x64xf32, #tpu.memory_space<vmem>>
      %dma_wait3A_343 = tpu.memref_squeeze %dma_wait3A_342 : memref<1x40x64xf32, #tpu.memory_space<vmem>> -> memref<40x64xf32, #tpu.memory_space<vmem>>
      %dma_wait3A_344 = arith.constant 0 : i32
      %dma_wait3A_345 = tpu.memref_slice %arg10[%add3A_338, %dma_wait3A_344] : memref<500x40xi32, #tpu.memory_space<vmem>> -> memref<1x40xi32, #tpu.memory_space<vmem>>
      %dma_wait3A_346 = tpu.memref_squeeze %dma_wait3A_345 : memref<1x40xi32, #tpu.memory_space<vmem>> -> memref<40xi32, #tpu.memory_space<vmem>>
      %dma_wait3A_347 = arith.constant 0 : i32
      %dma_wait3A_348 = tpu.memref_slice %arg2[%arg0, %dma_wait3A_347] : memref<20000x64xf32, #tpu.memory_space<hbm>> -> memref<19999x64xf32, #tpu.memory_space<hbm>>
      %dma_wait3A_349 = arith.constant 0 : i32
      %dma_wait3A_350 = arith.constant 0 : i32
      %dma_wait3A_351 = tpu.memref_slice %dma_wait3A_348[%dma_wait3A_349, %dma_wait3A_350] : memref<19999x64xf32, #tpu.memory_space<hbm>> -> memref<19999x64xf32, #tpu.memory_space<hbm>>
      tpu.wait_indirect_dma semaphore(%arg17 : memref<!tpu.dma_semaphore, #tpu.memory_space<semaphore_mem>>) src(%dma_wait3A_351 : memref<19999x64xf32, #tpu.memory_space<hbm>>) dst(%dma_wait3A_343 : memref<40x64xf32, #tpu.memory_space<vmem>>)
      %mul3A_352 = arith.constant 5 : i32
      %mul3A_353 = arith.muli %mul3A_211, %mul3A_352 : i32
      %add3A_354 = arith.constant 3 : i32
      %add3A_355 = arith.addi %mul3A_353, %add3A_354 : i32
      %dma_wait3A_356 = arith.constant 3 : i32
      %dma_wait3A_357 = arith.constant 0 : i32
      %dma_wait3A_358 = arith.constant 0 : i32
      %dma_wait3A_359 = tpu.memref_slice %arg12[%dma_wait3A_356, %dma_wait3A_357, %dma_wait3A_358] : memref<5x40x64xf32, #tpu.memory_space<vmem>> -> memref<1x40x64xf32, #tpu.memory_space<vmem>>
      %dma_wait3A_360 = tpu.memref_squeeze %dma_wait3A_359 : memref<1x40x64xf32, #tpu.memory_space<vmem>> -> memref<40x64xf32, #tpu.memory_space<vmem>>
      %dma_wait3A_361 = arith.constant 0 : i32
      %dma_wait3A_362 = tpu.memref_slice %arg10[%add3A_355, %dma_wait3A_361] : memref<500x40xi32, #tpu.memory_space<vmem>> -> memref<1x40xi32, #tpu.memory_space<vmem>>
      %dma_wait3A_363 = tpu.memref_squeeze %dma_wait3A_362 : memref<1x40xi32, #tpu.memory_space<vmem>> -> memref<40xi32, #tpu.memory_space<vmem>>
      %dma_wait3A_364 = arith.constant 0 : i32
      %dma_wait3A_365 = tpu.memref_slice %arg2[%arg0, %dma_wait3A_364] : memref<20000x64xf32, #tpu.memory_space<hbm>> -> memref<19999x64xf32, #tpu.memory_space<hbm>>
      %dma_wait3A_366 = arith.constant 0 : i32
      %dma_wait3A_367 = arith.constant 0 : i32
      %dma_wait3A_368 = tpu.memref_slice %dma_wait3A_365[%dma_wait3A_366, %dma_wait3A_367] : memref<19999x64xf32, #tpu.memory_space<hbm>> -> memref<19999x64xf32, #tpu.memory_space<hbm>>
      tpu.wait_indirect_dma semaphore(%arg17 : memref<!tpu.dma_semaphore, #tpu.memory_space<semaphore_mem>>) src(%dma_wait3A_368 : memref<19999x64xf32, #tpu.memory_space<hbm>>) dst(%dma_wait3A_360 : memref<40x64xf32, #tpu.memory_space<vmem>>)
      %mul3A_369 = arith.constant 5 : i32
      %mul3A_370 = arith.muli %mul3A_211, %mul3A_369 : i32
      %add3A_371 = arith.constant 4 : i32
      %add3A_372 = arith.addi %mul3A_370, %add3A_371 : i32
      %dma_wait3A_373 = arith.constant 4 : i32
      %dma_wait3A_374 = arith.constant 0 : i32
      %dma_wait3A_375 = arith.constant 0 : i32
      %dma_wait3A_376 = tpu.memref_slice %arg12[%dma_wait3A_373, %dma_wait3A_374, %dma_wait3A_375] : memref<5x40x64xf32, #tpu.memory_space<vmem>> -> memref<1x40x64xf32, #tpu.memory_space<vmem>>
      %dma_wait3A_377 = tpu.memref_squeeze %dma_wait3A_376 : memref<1x40x64xf32, #tpu.memory_space<vmem>> -> memref<40x64xf32, #tpu.memory_space<vmem>>
      %dma_wait3A_378 = arith.constant 0 : i32
      %dma_wait3A_379 = tpu.memref_slice %arg10[%add3A_372, %dma_wait3A_378] : memref<500x40xi32, #tpu.memory_space<vmem>> -> memref<1x40xi32, #tpu.memory_space<vmem>>
      %dma_wait3A_380 = tpu.memref_squeeze %dma_wait3A_379 : memref<1x40xi32, #tpu.memory_space<vmem>> -> memref<40xi32, #tpu.memory_space<vmem>>
      %dma_wait3A_381 = arith.constant 0 : i32
      %dma_wait3A_382 = tpu.memref_slice %arg2[%arg0, %dma_wait3A_381] : memref<20000x64xf32, #tpu.memory_space<hbm>> -> memref<19999x64xf32, #tpu.memory_space<hbm>>
      %dma_wait3A_383 = arith.constant 0 : i32
      %dma_wait3A_384 = arith.constant 0 : i32
      %dma_wait3A_385 = tpu.memref_slice %dma_wait3A_382[%dma_wait3A_383, %dma_wait3A_384] : memref<19999x64xf32, #tpu.memory_space<hbm>> -> memref<19999x64xf32, #tpu.memory_space<hbm>>
      tpu.wait_indirect_dma semaphore(%arg17 : memref<!tpu.dma_semaphore, #tpu.memory_space<semaphore_mem>>) src(%dma_wait3A_385 : memref<19999x64xf32, #tpu.memory_space<hbm>>) dst(%dma_wait3A_377 : memref<40x64xf32, #tpu.memory_space<vmem>>)
      %mul3A_386 = arith.constant 5 : i32
      %mul3A_387 = arith.muli %mul3A_211, %mul3A_386 : i32
      %add3A_388 = arith.constant 0 : i32
      %add3A_389 = arith.addi %mul3A_387, %add3A_388 : i32
      %dma_start3A_390 = arith.constant 0 : i32
      %dma_start3A_391 = arith.constant 0 : i32
      %dma_start3A_392 = arith.constant 0 : i32
      %dma_start3A_393 = tpu.memref_slice %arg12[%dma_start3A_390, %dma_start3A_391, %dma_start3A_392] : memref<5x40x64xf32, #tpu.memory_space<vmem>> -> memref<1x40x64xf32, #tpu.memory_space<vmem>>
      %dma_start3A_394 = tpu.memref_squeeze %dma_start3A_393 : memref<1x40x64xf32, #tpu.memory_space<vmem>> -> memref<40x64xf32, #tpu.memory_space<vmem>>
      %dma_start3A_395 = arith.constant 0 : i32
      %dma_start3A_396 = tpu.memref_slice %arg11[%add3A_389, %dma_start3A_395] : memref<500x40xi32, #tpu.memory_space<vmem>> -> memref<1x40xi32, #tpu.memory_space<vmem>>
      %dma_start3A_397 = tpu.memref_squeeze %dma_start3A_396 : memref<1x40xi32, #tpu.memory_space<vmem>> -> memref<40xi32, #tpu.memory_space<vmem>>
      %dma_start3A_398 = arith.constant 0 : i32
      %dma_start3A_399 = arith.constant 0 : i32
      %dma_start3A_400 = tpu.memref_slice %arg15[%dma_start3A_398, %dma_start3A_399] : memref<10240x64xf32, #tpu.memory_space<vmem_shared>> -> memref<10240x64xf32, #tpu.memory_space<vmem_shared>>
      tpu.enqueue_indirect_dma source(%dma_start3A_394 : memref<40x64xf32, #tpu.memory_space<vmem>>) target(%dma_start3A_400 : memref<10240x64xf32, #tpu.memory_space<vmem_shared>>) offsets(%dma_start3A_397 : memref<40xi32, #tpu.memory_space<vmem>>) semaphore(%arg18 : memref<!tpu.dma_semaphore, #tpu.memory_space<semaphore_mem>>) {add = true}
      %mul3A_401 = arith.constant 5 : i32
      %mul3A_402 = arith.muli %mul3A_211, %mul3A_401 : i32
      %add3A_403 = arith.constant 1 : i32
      %add3A_404 = arith.addi %mul3A_402, %add3A_403 : i32
      %dma_start3A_405 = arith.constant 1 : i32
      %dma_start3A_406 = arith.constant 0 : i32
      %dma_start3A_407 = arith.constant 0 : i32
      %dma_start3A_408 = tpu.memref_slice %arg12[%dma_start3A_405, %dma_start3A_406, %dma_start3A_407] : memref<5x40x64xf32, #tpu.memory_space<vmem>> -> memref<1x40x64xf32, #tpu.memory_space<vmem>>
      %dma_start3A_409 = tpu.memref_squeeze %dma_start3A_408 : memref<1x40x64xf32, #tpu.memory_space<vmem>> -> memref<40x64xf32, #tpu.memory_space<vmem>>
      %dma_start3A_410 = arith.constant 0 : i32
      %dma_start3A_411 = tpu.memref_slice %arg11[%add3A_404, %dma_start3A_410] : memref<500x40xi32, #tpu.memory_space<vmem>> -> memref<1x40xi32, #tpu.memory_space<vmem>>
      %dma_start3A_412 = tpu.memref_squeeze %dma_start3A_411 : memref<1x40xi32, #tpu.memory_space<vmem>> -> memref<40xi32, #tpu.memory_space<vmem>>
      %dma_start3A_413 = arith.constant 0 : i32
      %dma_start3A_414 = arith.constant 0 : i32
      %dma_start3A_415 = tpu.memref_slice %arg15[%dma_start3A_413, %dma_start3A_414] : memref<10240x64xf32, #tpu.memory_space<vmem_shared>> -> memref<10240x64xf32, #tpu.memory_space<vmem_shared>>
      tpu.enqueue_indirect_dma source(%dma_start3A_409 : memref<40x64xf32, #tpu.memory_space<vmem>>) target(%dma_start3A_415 : memref<10240x64xf32, #tpu.memory_space<vmem_shared>>) offsets(%dma_start3A_412 : memref<40xi32, #tpu.memory_space<vmem>>) semaphore(%arg18 : memref<!tpu.dma_semaphore, #tpu.memory_space<semaphore_mem>>) {add = true}
      %mul3A_416 = arith.constant 5 : i32
      %mul3A_417 = arith.muli %mul3A_211, %mul3A_416 : i32
      %add3A_418 = arith.constant 2 : i32
      %add3A_419 = arith.addi %mul3A_417, %add3A_418 : i32
      %dma_start3A_420 = arith.constant 2 : i32
      %dma_start3A_421 = arith.constant 0 : i32
      %dma_start3A_422 = arith.constant 0 : i32
      %dma_start3A_423 = tpu.memref_slice %arg12[%dma_start3A_420, %dma_start3A_421, %dma_start3A_422] : memref<5x40x64xf32, #tpu.memory_space<vmem>> -> memref<1x40x64xf32, #tpu.memory_space<vmem>>
      %dma_start3A_424 = tpu.memref_squeeze %dma_start3A_423 : memref<1x40x64xf32, #tpu.memory_space<vmem>> -> memref<40x64xf32, #tpu.memory_space<vmem>>
      %dma_start3A_425 = arith.constant 0 : i32
      %dma_start3A_426 = tpu.memref_slice %arg11[%add3A_419, %dma_start3A_425] : memref<500x40xi32, #tpu.memory_space<vmem>> -> memref<1x40xi32, #tpu.memory_space<vmem>>
      %dma_start3A_427 = tpu.memref_squeeze %dma_start3A_426 : memref<1x40xi32, #tpu.memory_space<vmem>> -> memref<40xi32, #tpu.memory_space<vmem>>
      %dma_start3A_428 = arith.constant 0 : i32
      %dma_start3A_429 = arith.constant 0 : i32
      %dma_start3A_430 = tpu.memref_slice %arg15[%dma_start3A_428, %dma_start3A_429] : memref<10240x64xf32, #tpu.memory_space<vmem_shared>> -> memref<10240x64xf32, #tpu.memory_space<vmem_shared>>
      tpu.enqueue_indirect_dma source(%dma_start3A_424 : memref<40x64xf32, #tpu.memory_space<vmem>>) target(%dma_start3A_430 : memref<10240x64xf32, #tpu.memory_space<vmem_shared>>) offsets(%dma_start3A_427 : memref<40xi32, #tpu.memory_space<vmem>>) semaphore(%arg18 : memref<!tpu.dma_semaphore, #tpu.memory_space<semaphore_mem>>) {add = true}
      %mul3A_431 = arith.constant 5 : i32
      %mul3A_432 = arith.muli %mul3A_211, %mul3A_431 : i32
      %add3A_433 = arith.constant 3 : i32
      %add3A_434 = arith.addi %mul3A_432, %add3A_433 : i32
      %dma_start3A_435 = arith.constant 3 : i32
      %dma_start3A_436 = arith.constant 0 : i32
      %dma_start3A_437 = arith.constant 0 : i32
      %dma_start3A_438 = tpu.memref_slice %arg12[%dma_start3A_435, %dma_start3A_436, %dma_start3A_437] : memref<5x40x64xf32, #tpu.memory_space<vmem>> -> memref<1x40x64xf32, #tpu.memory_space<vmem>>
      %dma_start3A_439 = tpu.memref_squeeze %dma_start3A_438 : memref<1x40x64xf32, #tpu.memory_space<vmem>> -> memref<40x64xf32, #tpu.memory_space<vmem>>
      %dma_start3A_440 = arith.constant 0 : i32
      %dma_start3A_441 = tpu.memref_slice %arg11[%add3A_434, %dma_start3A_440] : memref<500x40xi32, #tpu.memory_space<vmem>> -> memref<1x40xi32, #tpu.memory_space<vmem>>
      %dma_start3A_442 = tpu.memref_squeeze %dma_start3A_441 : memref<1x40xi32, #tpu.memory_space<vmem>> -> memref<40xi32, #tpu.memory_space<vmem>>
      %dma_start3A_443 = arith.constant 0 : i32
      %dma_start3A_444 = arith.constant 0 : i32
      %dma_start3A_445 = tpu.memref_slice %arg15[%dma_start3A_443, %dma_start3A_444] : memref<10240x64xf32, #tpu.memory_space<vmem_shared>> -> memref<10240x64xf32, #tpu.memory_space<vmem_shared>>
      tpu.enqueue_indirect_dma source(%dma_start3A_439 : memref<40x64xf32, #tpu.memory_space<vmem>>) target(%dma_start3A_445 : memref<10240x64xf32, #tpu.memory_space<vmem_shared>>) offsets(%dma_start3A_442 : memref<40xi32, #tpu.memory_space<vmem>>) semaphore(%arg18 : memref<!tpu.dma_semaphore, #tpu.memory_space<semaphore_mem>>) {add = true}
      %mul3A_446 = arith.constant 5 : i32
      %mul3A_447 = arith.muli %mul3A_211, %mul3A_446 : i32
      %add3A_448 = arith.constant 4 : i32
      %add3A_449 = arith.addi %mul3A_447, %add3A_448 : i32
      %dma_start3A_450 = arith.constant 4 : i32
      %dma_start3A_451 = arith.constant 0 : i32
      %dma_start3A_452 = arith.constant 0 : i32
      %dma_start3A_453 = tpu.memref_slice %arg12[%dma_start3A_450, %dma_start3A_451, %dma_start3A_452] : memref<5x40x64xf32, #tpu.memory_space<vmem>> -> memref<1x40x64xf32, #tpu.memory_space<vmem>>
      %dma_start3A_454 = tpu.memref_squeeze %dma_start3A_453 : memref<1x40x64xf32, #tpu.memory_space<vmem>> -> memref<40x64xf32, #tpu.memory_space<vmem>>
      %dma_start3A_455 = arith.constant 0 : i32
      %dma_start3A_456 = tpu.memref_slice %arg11[%add3A_449, %dma_start3A_455] : memref<500x40xi32, #tpu.memory_space<vmem>> -> memref<1x40xi32, #tpu.memory_space<vmem>>
      %dma_start3A_457 = tpu.memref_squeeze %dma_start3A_456 : memref<1x40xi32, #tpu.memory_space<vmem>> -> memref<40xi32, #tpu.memory_space<vmem>>
      %dma_start3A_458 = arith.constant 0 : i32
      %dma_start3A_459 = arith.constant 0 : i32
      %dma_start3A_460 = tpu.memref_slice %arg15[%dma_start3A_458, %dma_start3A_459] : memref<10240x64xf32, #tpu.memory_space<vmem_shared>> -> memref<10240x64xf32, #tpu.memory_space<vmem_shared>>
      tpu.enqueue_indirect_dma source(%dma_start3A_454 : memref<40x64xf32, #tpu.memory_space<vmem>>) target(%dma_start3A_460 : memref<10240x64xf32, #tpu.memory_space<vmem_shared>>) offsets(%dma_start3A_457 : memref<40xi32, #tpu.memory_space<vmem>>) semaphore(%arg18 : memref<!tpu.dma_semaphore, #tpu.memory_space<semaphore_mem>>) {add = true}
      %lt3A = arith.constant 50 : i32
      %lt3A_461 = arith.cmpi slt, %mul3A_211, %lt3A : i32
      %eq3A = arith.constant 0 : i32
      %eq3A_462 = arith.cmpi eq, %arg0, %eq3A : i32
      %eq3A_463 = arith.xori %lt3A_461, %eq3A_462 : i1
      %eq3A_464 = arith.constant true
      %eq3A_465 = arith.xori %eq3A_463, %eq3A_464 : i1
      %convert_element_type3A_466 = arith.extui %eq3A_465 : i1 to i32
      %cond3A_467 = arith.constant 0 : i32
      %cond3A_468 = arith.cmpi ne, %convert_element_type3A_466, %cond3A_467 : i32
      scf.if %cond3A_468 {
        %mul3A_650 = arith.constant 5 : i32
        %mul3A_651 = arith.muli %mul3A_211, %mul3A_650 : i32
        %add3A_652 = arith.constant 0 : i32
        %add3A_653 = arith.addi %mul3A_651, %add3A_652 : i32
        %dma_start3A_654 = arith.constant 0 : i32
        %dma_start3A_655 = tpu.memref_slice %arg11[%add3A_653, %dma_start3A_654] : memref<500x40xi32, #tpu.memory_space<vmem>> -> memref<1x40xi32, #tpu.memory_space<vmem>>
        %dma_start3A_656 = tpu.memref_squeeze %dma_start3A_655 : memref<1x40xi32, #tpu.memory_space<vmem>> -> memref<40xi32, #tpu.memory_space<vmem>>
        %dma_start3A_657 = arith.constant 0 : i32
        %dma_start3A_658 = arith.constant 0 : i32
        %dma_start3A_659 = tpu.memref_slice %arg16[%dma_start3A_657, %dma_start3A_658] : memref<10240x8xf32, #tpu.memory_space<vmem_shared>> -> memref<10240x8xf32, #tpu.memory_space<vmem_shared>>
        tpu.enqueue_indirect_dma source(%arg14 : memref<40x8xf32, #tpu.memory_space<vmem>>) target(%dma_start3A_659 : memref<10240x8xf32, #tpu.memory_space<vmem_shared>>) offsets(%dma_start3A_656 : memref<40xi32, #tpu.memory_space<vmem>>) semaphore(%arg19 : memref<!tpu.dma_semaphore, #tpu.memory_space<semaphore_mem>>) {add = true}
        %mul3A_660 = arith.constant 5 : i32
        %mul3A_661 = arith.muli %mul3A_211, %mul3A_660 : i32
        %add3A_662 = arith.constant 1 : i32
        %add3A_663 = arith.addi %mul3A_661, %add3A_662 : i32
        %dma_start3A_664 = arith.constant 0 : i32
        %dma_start3A_665 = tpu.memref_slice %arg11[%add3A_663, %dma_start3A_664] : memref<500x40xi32, #tpu.memory_space<vmem>> -> memref<1x40xi32, #tpu.memory_space<vmem>>
        %dma_start3A_666 = tpu.memref_squeeze %dma_start3A_665 : memref<1x40xi32, #tpu.memory_space<vmem>> -> memref<40xi32, #tpu.memory_space<vmem>>
        %dma_start3A_667 = arith.constant 0 : i32
        %dma_start3A_668 = arith.constant 0 : i32
        %dma_start3A_669 = tpu.memref_slice %arg16[%dma_start3A_667, %dma_start3A_668] : memref<10240x8xf32, #tpu.memory_space<vmem_shared>> -> memref<10240x8xf32, #tpu.memory_space<vmem_shared>>
        tpu.enqueue_indirect_dma source(%arg14 : memref<40x8xf32, #tpu.memory_space<vmem>>) target(%dma_start3A_669 : memref<10240x8xf32, #tpu.memory_space<vmem_shared>>) offsets(%dma_start3A_666 : memref<40xi32, #tpu.memory_space<vmem>>) semaphore(%arg19 : memref<!tpu.dma_semaphore, #tpu.memory_space<semaphore_mem>>) {add = true}
        %mul3A_670 = arith.constant 5 : i32
        %mul3A_671 = arith.muli %mul3A_211, %mul3A_670 : i32
        %add3A_672 = arith.constant 2 : i32
        %add3A_673 = arith.addi %mul3A_671, %add3A_672 : i32
        %dma_start3A_674 = arith.constant 0 : i32
        %dma_start3A_675 = tpu.memref_slice %arg11[%add3A_673, %dma_start3A_674] : memref<500x40xi32, #tpu.memory_space<vmem>> -> memref<1x40xi32, #tpu.memory_space<vmem>>
        %dma_start3A_676 = tpu.memref_squeeze %dma_start3A_675 : memref<1x40xi32, #tpu.memory_space<vmem>> -> memref<40xi32, #tpu.memory_space<vmem>>
        %dma_start3A_677 = arith.constant 0 : i32
        %dma_start3A_678 = arith.constant 0 : i32
        %dma_start3A_679 = tpu.memref_slice %arg16[%dma_start3A_677, %dma_start3A_678] : memref<10240x8xf32, #tpu.memory_space<vmem_shared>> -> memref<10240x8xf32, #tpu.memory_space<vmem_shared>>
        tpu.enqueue_indirect_dma source(%arg14 : memref<40x8xf32, #tpu.memory_space<vmem>>) target(%dma_start3A_679 : memref<10240x8xf32, #tpu.memory_space<vmem_shared>>) offsets(%dma_start3A_676 : memref<40xi32, #tpu.memory_space<vmem>>) semaphore(%arg19 : memref<!tpu.dma_semaphore, #tpu.memory_space<semaphore_mem>>) {add = true}
        %mul3A_680 = arith.constant 5 : i32
        %mul3A_681 = arith.muli %mul3A_211, %mul3A_680 : i32
        %add3A_682 = arith.constant 3 : i32
        %add3A_683 = arith.addi %mul3A_681, %add3A_682 : i32
        %dma_start3A_684 = arith.constant 0 : i32
        %dma_start3A_685 = tpu.memref_slice %arg11[%add3A_683, %dma_start3A_684] : memref<500x40xi32, #tpu.memory_space<vmem>> -> memref<1x40xi32, #tpu.memory_space<vmem>>
        %dma_start3A_686 = tpu.memref_squeeze %dma_start3A_685 : memref<1x40xi32, #tpu.memory_space<vmem>> -> memref<40xi32, #tpu.memory_space<vmem>>
        %dma_start3A_687 = arith.constant 0 : i32
        %dma_start3A_688 = arith.constant 0 : i32
        %dma_start3A_689 = tpu.memref_slice %arg16[%dma_start3A_687, %dma_start3A_688] : memref<10240x8xf32, #tpu.memory_space<vmem_shared>> -> memref<10240x8xf32, #tpu.memory_space<vmem_shared>>
        tpu.enqueue_indirect_dma source(%arg14 : memref<40x8xf32, #tpu.memory_space<vmem>>) target(%dma_start3A_689 : memref<10240x8xf32, #tpu.memory_space<vmem_shared>>) offsets(%dma_start3A_686 : memref<40xi32, #tpu.memory_space<vmem>>) semaphore(%arg19 : memref<!tpu.dma_semaphore, #tpu.memory_space<semaphore_mem>>) {add = true}
        %mul3A_690 = arith.constant 5 : i32
        %mul3A_691 = arith.muli %mul3A_211, %mul3A_690 : i32
        %add3A_692 = arith.constant 4 : i32
        %add3A_693 = arith.addi %mul3A_691, %add3A_692 : i32
        %dma_start3A_694 = arith.constant 0 : i32
        %dma_start3A_695 = tpu.memref_slice %arg11[%add3A_693, %dma_start3A_694] : memref<500x40xi32, #tpu.memory_space<vmem>> -> memref<1x40xi32, #tpu.memory_space<vmem>>
        %dma_start3A_696 = tpu.memref_squeeze %dma_start3A_695 : memref<1x40xi32, #tpu.memory_space<vmem>> -> memref<40xi32, #tpu.memory_space<vmem>>
        %dma_start3A_697 = arith.constant 0 : i32
        %dma_start3A_698 = arith.constant 0 : i32
        %dma_start3A_699 = tpu.memref_slice %arg16[%dma_start3A_697, %dma_start3A_698] : memref<10240x8xf32, #tpu.memory_space<vmem_shared>> -> memref<10240x8xf32, #tpu.memory_space<vmem_shared>>
        tpu.enqueue_indirect_dma source(%arg14 : memref<40x8xf32, #tpu.memory_space<vmem>>) target(%dma_start3A_699 : memref<10240x8xf32, #tpu.memory_space<vmem_shared>>) offsets(%dma_start3A_696 : memref<40xi32, #tpu.memory_space<vmem>>) semaphore(%arg19 : memref<!tpu.dma_semaphore, #tpu.memory_space<semaphore_mem>>) {add = true}
      } else {
      }
      %add3A_469 = arith.constant 1 : i32
      %add3A_470 = arith.addi %scan3A_209, %add3A_469 : i32
      %lt3A_471 = arith.constant 50 : i32
      %lt3A_472 = arith.cmpi slt, %add3A_470, %lt3A_471 : i32
      %convert_element_type3A_473 = arith.extui %lt3A_472 : i1 to i32
      %cond3A_474 = arith.constant 0 : i32
      %cond3A_475 = arith.cmpi ne, %convert_element_type3A_473, %cond3A_474 : i32
      scf.if %cond3A_475 {
        %mul3A_650 = arith.constant 5 : i32
        %mul3A_651 = arith.muli %mul3A_211, %mul3A_650 : i32
        %add3A_652 = arith.constant 0 : i32
        %add3A_653 = arith.addi %mul3A_651, %add3A_652 : i32
        %dma_wait3A_654 = arith.constant 0 : i32
        %dma_wait3A_655 = arith.constant 0 : i32
        %dma_wait3A_656 = arith.constant 0 : i32
        %dma_wait3A_657 = tpu.memref_slice %arg12[%dma_wait3A_654, %dma_wait3A_655, %dma_wait3A_656] : memref<5x40x64xf32, #tpu.memory_space<vmem>> -> memref<1x40x64xf32, #tpu.memory_space<vmem>>
        %dma_wait3A_658 = tpu.memref_squeeze %dma_wait3A_657 : memref<1x40x64xf32, #tpu.memory_space<vmem>> -> memref<40x64xf32, #tpu.memory_space<vmem>>
        %dma_wait3A_659 = arith.constant 0 : i32
        %dma_wait3A_660 = tpu.memref_slice %arg11[%add3A_653, %dma_wait3A_659] : memref<500x40xi32, #tpu.memory_space<vmem>> -> memref<1x40xi32, #tpu.memory_space<vmem>>
        %dma_wait3A_661 = tpu.memref_squeeze %dma_wait3A_660 : memref<1x40xi32, #tpu.memory_space<vmem>> -> memref<40xi32, #tpu.memory_space<vmem>>
        %dma_wait3A_662 = arith.constant 0 : i32
        %dma_wait3A_663 = arith.constant 0 : i32
        %dma_wait3A_664 = tpu.memref_slice %arg15[%dma_wait3A_662, %dma_wait3A_663] : memref<10240x64xf32, #tpu.memory_space<vmem_shared>> -> memref<10240x64xf32, #tpu.memory_space<vmem_shared>>
        tpu.wait_indirect_dma semaphore(%arg18 : memref<!tpu.dma_semaphore, #tpu.memory_space<semaphore_mem>>) src(%dma_wait3A_658 : memref<40x64xf32, #tpu.memory_space<vmem>>) dst(%dma_wait3A_664 : memref<10240x64xf32, #tpu.memory_space<vmem_shared>>)
        %mul3A_665 = arith.constant 5 : i32
        %mul3A_666 = arith.muli %mul3A_211, %mul3A_665 : i32
        %add3A_667 = arith.constant 1 : i32
        %add3A_668 = arith.addi %mul3A_666, %add3A_667 : i32
        %dma_wait3A_669 = arith.constant 1 : i32
        %dma_wait3A_670 = arith.constant 0 : i32
        %dma_wait3A_671 = arith.constant 0 : i32
        %dma_wait3A_672 = tpu.memref_slice %arg12[%dma_wait3A_669, %dma_wait3A_670, %dma_wait3A_671] : memref<5x40x64xf32, #tpu.memory_space<vmem>> -> memref<1x40x64xf32, #tpu.memory_space<vmem>>
        %dma_wait3A_673 = tpu.memref_squeeze %dma_wait3A_672 : memref<1x40x64xf32, #tpu.memory_space<vmem>> -> memref<40x64xf32, #tpu.memory_space<vmem>>
        %dma_wait3A_674 = arith.constant 0 : i32
        %dma_wait3A_675 = tpu.memref_slice %arg11[%add3A_668, %dma_wait3A_674] : memref<500x40xi32, #tpu.memory_space<vmem>> -> memref<1x40xi32, #tpu.memory_space<vmem>>
        %dma_wait3A_676 = tpu.memref_squeeze %dma_wait3A_675 : memref<1x40xi32, #tpu.memory_space<vmem>> -> memref<40xi32, #tpu.memory_space<vmem>>
        %dma_wait3A_677 = arith.constant 0 : i32
        %dma_wait3A_678 = arith.constant 0 : i32
        %dma_wait3A_679 = tpu.memref_slice %arg15[%dma_wait3A_677, %dma_wait3A_678] : memref<10240x64xf32, #tpu.memory_space<vmem_shared>> -> memref<10240x64xf32, #tpu.memory_space<vmem_shared>>
        tpu.wait_indirect_dma semaphore(%arg18 : memref<!tpu.dma_semaphore, #tpu.memory_space<semaphore_mem>>) src(%dma_wait3A_673 : memref<40x64xf32, #tpu.memory_space<vmem>>) dst(%dma_wait3A_679 : memref<10240x64xf32, #tpu.memory_space<vmem_shared>>)
        %mul3A_680 = arith.constant 5 : i32
        %mul3A_681 = arith.muli %mul3A_211, %mul3A_680 : i32
        %add3A_682 = arith.constant 2 : i32
        %add3A_683 = arith.addi %mul3A_681, %add3A_682 : i32
        %dma_wait3A_684 = arith.constant 2 : i32
        %dma_wait3A_685 = arith.constant 0 : i32
        %dma_wait3A_686 = arith.constant 0 : i32
        %dma_wait3A_687 = tpu.memref_slice %arg12[%dma_wait3A_684, %dma_wait3A_685, %dma_wait3A_686] : memref<5x40x64xf32, #tpu.memory_space<vmem>> -> memref<1x40x64xf32, #tpu.memory_space<vmem>>
        %dma_wait3A_688 = tpu.memref_squeeze %dma_wait3A_687 : memref<1x40x64xf32, #tpu.memory_space<vmem>> -> memref<40x64xf32, #tpu.memory_space<vmem>>
        %dma_wait3A_689 = arith.constant 0 : i32
        %dma_wait3A_690 = tpu.memref_slice %arg11[%add3A_683, %dma_wait3A_689] : memref<500x40xi32, #tpu.memory_space<vmem>> -> memref<1x40xi32, #tpu.memory_space<vmem>>
        %dma_wait3A_691 = tpu.memref_squeeze %dma_wait3A_690 : memref<1x40xi32, #tpu.memory_space<vmem>> -> memref<40xi32, #tpu.memory_space<vmem>>
        %dma_wait3A_692 = arith.constant 0 : i32
        %dma_wait3A_693 = arith.constant 0 : i32
        %dma_wait3A_694 = tpu.memref_slice %arg15[%dma_wait3A_692, %dma_wait3A_693] : memref<10240x64xf32, #tpu.memory_space<vmem_shared>> -> memref<10240x64xf32, #tpu.memory_space<vmem_shared>>
        tpu.wait_indirect_dma semaphore(%arg18 : memref<!tpu.dma_semaphore, #tpu.memory_space<semaphore_mem>>) src(%dma_wait3A_688 : memref<40x64xf32, #tpu.memory_space<vmem>>) dst(%dma_wait3A_694 : memref<10240x64xf32, #tpu.memory_space<vmem_shared>>)
        %mul3A_695 = arith.constant 5 : i32
        %mul3A_696 = arith.muli %mul3A_211, %mul3A_695 : i32
        %add3A_697 = arith.constant 3 : i32
        %add3A_698 = arith.addi %mul3A_696, %add3A_697 : i32
        %dma_wait3A_699 = arith.constant 3 : i32
        %dma_wait3A_700 = arith.constant 0 : i32
        %dma_wait3A_701 = arith.constant 0 : i32
        %dma_wait3A_702 = tpu.memref_slice %arg12[%dma_wait3A_699, %dma_wait3A_700, %dma_wait3A_701] : memref<5x40x64xf32, #tpu.memory_space<vmem>> -> memref<1x40x64xf32, #tpu.memory_space<vmem>>
        %dma_wait3A_703 = tpu.memref_squeeze %dma_wait3A_702 : memref<1x40x64xf32, #tpu.memory_space<vmem>> -> memref<40x64xf32, #tpu.memory_space<vmem>>
        %dma_wait3A_704 = arith.constant 0 : i32
        %dma_wait3A_705 = tpu.memref_slice %arg11[%add3A_698, %dma_wait3A_704] : memref<500x40xi32, #tpu.memory_space<vmem>> -> memref<1x40xi32, #tpu.memory_space<vmem>>
        %dma_wait3A_706 = tpu.memref_squeeze %dma_wait3A_705 : memref<1x40xi32, #tpu.memory_space<vmem>> -> memref<40xi32, #tpu.memory_space<vmem>>
        %dma_wait3A_707 = arith.constant 0 : i32
        %dma_wait3A_708 = arith.constant 0 : i32
        %dma_wait3A_709 = tpu.memref_slice %arg15[%dma_wait3A_707, %dma_wait3A_708] : memref<10240x64xf32, #tpu.memory_space<vmem_shared>> -> memref<10240x64xf32, #tpu.memory_space<vmem_shared>>
        tpu.wait_indirect_dma semaphore(%arg18 : memref<!tpu.dma_semaphore, #tpu.memory_space<semaphore_mem>>) src(%dma_wait3A_703 : memref<40x64xf32, #tpu.memory_space<vmem>>) dst(%dma_wait3A_709 : memref<10240x64xf32, #tpu.memory_space<vmem_shared>>)
        %mul3A_710 = arith.constant 5 : i32
        %mul3A_711 = arith.muli %mul3A_211, %mul3A_710 : i32
        %add3A_712 = arith.constant 4 : i32
        %add3A_713 = arith.addi %mul3A_711, %add3A_712 : i32
        %dma_wait3A_714 = arith.constant 4 : i32
        %dma_wait3A_715 = arith.constant 0 : i32
        %dma_wait3A_716 = arith.constant 0 : i32
        %dma_wait3A_717 = tpu.memref_slice %arg12[%dma_wait3A_714, %dma_wait3A_715, %dma_wait3A_716] : memref<5x40x64xf32, #tpu.memory_space<vmem>> -> memref<1x40x64xf32, #tpu.memory_space<vmem>>
        %dma_wait3A_718 = tpu.memref_squeeze %dma_wait3A_717 : memref<1x40x64xf32, #tpu.memory_space<vmem>> -> memref<40x64xf32, #tpu.memory_space<vmem>>
        %dma_wait3A_719 = arith.constant 0 : i32
        %dma_wait3A_720 = tpu.memref_slice %arg11[%add3A_713, %dma_wait3A_719] : memref<500x40xi32, #tpu.memory_space<vmem>> -> memref<1x40xi32, #tpu.memory_space<vmem>>
        %dma_wait3A_721 = tpu.memref_squeeze %dma_wait3A_720 : memref<1x40xi32, #tpu.memory_space<vmem>> -> memref<40xi32, #tpu.memory_space<vmem>>
        %dma_wait3A_722 = arith.constant 0 : i32
        %dma_wait3A_723 = arith.constant 0 : i32
        %dma_wait3A_724 = tpu.memref_slice %arg15[%dma_wait3A_722, %dma_wait3A_723] : memref<10240x64xf32, #tpu.memory_space<vmem_shared>> -> memref<10240x64xf32, #tpu.memory_space<vmem_shared>>
        tpu.wait_indirect_dma semaphore(%arg18 : memref<!tpu.dma_semaphore, #tpu.memory_space<semaphore_mem>>) src(%dma_wait3A_718 : memref<40x64xf32, #tpu.memory_space<vmem>>) dst(%dma_wait3A_724 : memref<10240x64xf32, #tpu.memory_space<vmem_shared>>)
        %add3A_725 = arith.constant 2 : i32
        %add3A_726 = arith.addi %mul3A_211, %add3A_725 : i32
        %mul3A_727 = arith.constant 5 : i32
        %mul3A_728 = arith.muli %add3A_726, %mul3A_727 : i32
        %add3A_729 = arith.constant 0 : i32
        %add3A_730 = arith.addi %mul3A_728, %add3A_729 : i32
        %dma_start3A_731 = arith.constant 0 : i32
        %dma_start3A_732 = arith.constant 0 : i32
        %dma_start3A_733 = arith.constant 0 : i32
        %dma_start3A_734 = tpu.memref_slice %arg12[%dma_start3A_731, %dma_start3A_732, %dma_start3A_733] : memref<5x40x64xf32, #tpu.memory_space<vmem>> -> memref<1x40x64xf32, #tpu.memory_space<vmem>>
        %dma_start3A_735 = tpu.memref_squeeze %dma_start3A_734 : memref<1x40x64xf32, #tpu.memory_space<vmem>> -> memref<40x64xf32, #tpu.memory_space<vmem>>
        %dma_start3A_736 = arith.constant 0 : i32
        %dma_start3A_737 = tpu.memref_slice %arg10[%add3A_730, %dma_start3A_736] : memref<500x40xi32, #tpu.memory_space<vmem>> -> memref<1x40xi32, #tpu.memory_space<vmem>>
        %dma_start3A_738 = tpu.memref_squeeze %dma_start3A_737 : memref<1x40xi32, #tpu.memory_space<vmem>> -> memref<40xi32, #tpu.memory_space<vmem>>
        %dma_start3A_739 = arith.constant 0 : i32
        %dma_start3A_740 = tpu.memref_slice %arg2[%arg0, %dma_start3A_739] : memref<20000x64xf32, #tpu.memory_space<hbm>> -> memref<19999x64xf32, #tpu.memory_space<hbm>>
        %dma_start3A_741 = arith.constant 0 : i32
        %dma_start3A_742 = arith.constant 0 : i32
        %dma_start3A_743 = tpu.memref_slice %dma_start3A_740[%dma_start3A_741, %dma_start3A_742] : memref<19999x64xf32, #tpu.memory_space<hbm>> -> memref<19999x64xf32, #tpu.memory_space<hbm>>
        tpu.enqueue_indirect_dma source(%dma_start3A_743 : memref<19999x64xf32, #tpu.memory_space<hbm>>) target(%dma_start3A_735 : memref<40x64xf32, #tpu.memory_space<vmem>>) offsets(%dma_start3A_738 : memref<40xi32, #tpu.memory_space<vmem>>) semaphore(%arg17 : memref<!tpu.dma_semaphore, #tpu.memory_space<semaphore_mem>>)
        %mul3A_744 = arith.constant 5 : i32
        %mul3A_745 = arith.muli %add3A_726, %mul3A_744 : i32
        %add3A_746 = arith.constant 1 : i32
        %add3A_747 = arith.addi %mul3A_745, %add3A_746 : i32
        %dma_start3A_748 = arith.constant 1 : i32
        %dma_start3A_749 = arith.constant 0 : i32
        %dma_start3A_750 = arith.constant 0 : i32
        %dma_start3A_751 = tpu.memref_slice %arg12[%dma_start3A_748, %dma_start3A_749, %dma_start3A_750] : memref<5x40x64xf32, #tpu.memory_space<vmem>> -> memref<1x40x64xf32, #tpu.memory_space<vmem>>
        %dma_start3A_752 = tpu.memref_squeeze %dma_start3A_751 : memref<1x40x64xf32, #tpu.memory_space<vmem>> -> memref<40x64xf32, #tpu.memory_space<vmem>>
        %dma_start3A_753 = arith.constant 0 : i32
        %dma_start3A_754 = tpu.memref_slice %arg10[%add3A_747, %dma_start3A_753] : memref<500x40xi32, #tpu.memory_space<vmem>> -> memref<1x40xi32, #tpu.memory_space<vmem>>
        %dma_start3A_755 = tpu.memref_squeeze %dma_start3A_754 : memref<1x40xi32, #tpu.memory_space<vmem>> -> memref<40xi32, #tpu.memory_space<vmem>>
        %dma_start3A_756 = arith.constant 0 : i32
        %dma_start3A_757 = tpu.memref_slice %arg2[%arg0, %dma_start3A_756] : memref<20000x64xf32, #tpu.memory_space<hbm>> -> memref<19999x64xf32, #tpu.memory_space<hbm>>
        %dma_start3A_758 = arith.constant 0 : i32
        %dma_start3A_759 = arith.constant 0 : i32
        %dma_start3A_760 = tpu.memref_slice %dma_start3A_757[%dma_start3A_758, %dma_start3A_759] : memref<19999x64xf32, #tpu.memory_space<hbm>> -> memref<19999x64xf32, #tpu.memory_space<hbm>>
        tpu.enqueue_indirect_dma source(%dma_start3A_760 : memref<19999x64xf32, #tpu.memory_space<hbm>>) target(%dma_start3A_752 : memref<40x64xf32, #tpu.memory_space<vmem>>) offsets(%dma_start3A_755 : memref<40xi32, #tpu.memory_space<vmem>>) semaphore(%arg17 : memref<!tpu.dma_semaphore, #tpu.memory_space<semaphore_mem>>)
        %mul3A_761 = arith.constant 5 : i32
        %mul3A_762 = arith.muli %add3A_726, %mul3A_761 : i32
        %add3A_763 = arith.constant 2 : i32
        %add3A_764 = arith.addi %mul3A_762, %add3A_763 : i32
        %dma_start3A_765 = arith.constant 2 : i32
        %dma_start3A_766 = arith.constant 0 : i32
        %dma_start3A_767 = arith.constant 0 : i32
        %dma_start3A_768 = tpu.memref_slice %arg12[%dma_start3A_765, %dma_start3A_766, %dma_start3A_767] : memref<5x40x64xf32, #tpu.memory_space<vmem>> -> memref<1x40x64xf32, #tpu.memory_space<vmem>>
        %dma_start3A_769 = tpu.memref_squeeze %dma_start3A_768 : memref<1x40x64xf32, #tpu.memory_space<vmem>> -> memref<40x64xf32, #tpu.memory_space<vmem>>
        %dma_start3A_770 = arith.constant 0 : i32
        %dma_start3A_771 = tpu.memref_slice %arg10[%add3A_764, %dma_start3A_770] : memref<500x40xi32, #tpu.memory_space<vmem>> -> memref<1x40xi32, #tpu.memory_space<vmem>>
        %dma_start3A_772 = tpu.memref_squeeze %dma_start3A_771 : memref<1x40xi32, #tpu.memory_space<vmem>> -> memref<40xi32, #tpu.memory_space<vmem>>
        %dma_start3A_773 = arith.constant 0 : i32
        %dma_start3A_774 = tpu.memref_slice %arg2[%arg0, %dma_start3A_773] : memref<20000x64xf32, #tpu.memory_space<hbm>> -> memref<19999x64xf32, #tpu.memory_space<hbm>>
        %dma_start3A_775 = arith.constant 0 : i32
        %dma_start3A_776 = arith.constant 0 : i32
        %dma_start3A_777 = tpu.memref_slice %dma_start3A_774[%dma_start3A_775, %dma_start3A_776] : memref<19999x64xf32, #tpu.memory_space<hbm>> -> memref<19999x64xf32, #tpu.memory_space<hbm>>
        tpu.enqueue_indirect_dma source(%dma_start3A_777 : memref<19999x64xf32, #tpu.memory_space<hbm>>) target(%dma_start3A_769 : memref<40x64xf32, #tpu.memory_space<vmem>>) offsets(%dma_start3A_772 : memref<40xi32, #tpu.memory_space<vmem>>) semaphore(%arg17 : memref<!tpu.dma_semaphore, #tpu.memory_space<semaphore_mem>>)
        %mul3A_778 = arith.constant 5 : i32
        %mul3A_779 = arith.muli %add3A_726, %mul3A_778 : i32
        %add3A_780 = arith.constant 3 : i32
        %add3A_781 = arith.addi %mul3A_779, %add3A_780 : i32
        %dma_start3A_782 = arith.constant 3 : i32
        %dma_start3A_783 = arith.constant 0 : i32
        %dma_start3A_784 = arith.constant 0 : i32
        %dma_start3A_785 = tpu.memref_slice %arg12[%dma_start3A_782, %dma_start3A_783, %dma_start3A_784] : memref<5x40x64xf32, #tpu.memory_space<vmem>> -> memref<1x40x64xf32, #tpu.memory_space<vmem>>
        %dma_start3A_786 = tpu.memref_squeeze %dma_start3A_785 : memref<1x40x64xf32, #tpu.memory_space<vmem>> -> memref<40x64xf32, #tpu.memory_space<vmem>>
        %dma_start3A_787 = arith.constant 0 : i32
        %dma_start3A_788 = tpu.memref_slice %arg10[%add3A_781, %dma_start3A_787] : memref<500x40xi32, #tpu.memory_space<vmem>> -> memref<1x40xi32, #tpu.memory_space<vmem>>
        %dma_start3A_789 = tpu.memref_squeeze %dma_start3A_788 : memref<1x40xi32, #tpu.memory_space<vmem>> -> memref<40xi32, #tpu.memory_space<vmem>>
        %dma_start3A_790 = arith.constant 0 : i32
        %dma_start3A_791 = tpu.memref_slice %arg2[%arg0, %dma_start3A_790] : memref<20000x64xf32, #tpu.memory_space<hbm>> -> memref<19999x64xf32, #tpu.memory_space<hbm>>
        %dma_start3A_792 = arith.constant 0 : i32
        %dma_start3A_793 = arith.constant 0 : i32
        %dma_start3A_794 = tpu.memref_slice %dma_start3A_791[%dma_start3A_792, %dma_start3A_793] : memref<19999x64xf32, #tpu.memory_space<hbm>> -> memref<19999x64xf32, #tpu.memory_space<hbm>>
        tpu.enqueue_indirect_dma source(%dma_start3A_794 : memref<19999x64xf32, #tpu.memory_space<hbm>>) target(%dma_start3A_786 : memref<40x64xf32, #tpu.memory_space<vmem>>) offsets(%dma_start3A_789 : memref<40xi32, #tpu.memory_space<vmem>>) semaphore(%arg17 : memref<!tpu.dma_semaphore, #tpu.memory_space<semaphore_mem>>)
        %mul3A_795 = arith.constant 5 : i32
        %mul3A_796 = arith.muli %add3A_726, %mul3A_795 : i32
        %add3A_797 = arith.constant 4 : i32
        %add3A_798 = arith.addi %mul3A_796, %add3A_797 : i32
        %dma_start3A_799 = arith.constant 4 : i32
        %dma_start3A_800 = arith.constant 0 : i32
        %dma_start3A_801 = arith.constant 0 : i32
        %dma_start3A_802 = tpu.memref_slice %arg12[%dma_start3A_799, %dma_start3A_800, %dma_start3A_801] : memref<5x40x64xf32, #tpu.memory_space<vmem>> -> memref<1x40x64xf32, #tpu.memory_space<vmem>>
        %dma_start3A_803 = tpu.memref_squeeze %dma_start3A_802 : memref<1x40x64xf32, #tpu.memory_space<vmem>> -> memref<40x64xf32, #tpu.memory_space<vmem>>
        %dma_start3A_804 = arith.constant 0 : i32
        %dma_start3A_805 = tpu.memref_slice %arg10[%add3A_798, %dma_start3A_804] : memref<500x40xi32, #tpu.memory_space<vmem>> -> memref<1x40xi32, #tpu.memory_space<vmem>>
        %dma_start3A_806 = tpu.memref_squeeze %dma_start3A_805 : memref<1x40xi32, #tpu.memory_space<vmem>> -> memref<40xi32, #tpu.memory_space<vmem>>
        %dma_start3A_807 = arith.constant 0 : i32
        %dma_start3A_808 = tpu.memref_slice %arg2[%arg0, %dma_start3A_807] : memref<20000x64xf32, #tpu.memory_space<hbm>> -> memref<19999x64xf32, #tpu.memory_space<hbm>>
        %dma_start3A_809 = arith.constant 0 : i32
        %dma_start3A_810 = arith.constant 0 : i32
        %dma_start3A_811 = tpu.memref_slice %dma_start3A_808[%dma_start3A_809, %dma_start3A_810] : memref<19999x64xf32, #tpu.memory_space<hbm>> -> memref<19999x64xf32, #tpu.memory_space<hbm>>
        tpu.enqueue_indirect_dma source(%dma_start3A_811 : memref<19999x64xf32, #tpu.memory_space<hbm>>) target(%dma_start3A_803 : memref<40x64xf32, #tpu.memory_space<vmem>>) offsets(%dma_start3A_806 : memref<40xi32, #tpu.memory_space<vmem>>) semaphore(%arg17 : memref<!tpu.dma_semaphore, #tpu.memory_space<semaphore_mem>>)
      } else {
      }
      %add3A_476 = arith.constant 1 : i32
      %add3A_477 = arith.addi %mul3A_211, %add3A_476 : i32
      %mul3A_478 = arith.constant 5 : i32
      %mul3A_479 = arith.muli %add3A_477, %mul3A_478 : i32
      %add3A_480 = arith.constant 0 : i32
      %add3A_481 = arith.addi %mul3A_479, %add3A_480 : i32
      %dma_wait3A_482 = arith.constant 0 : i32
      %dma_wait3A_483 = arith.constant 0 : i32
      %dma_wait3A_484 = arith.constant 0 : i32
      %dma_wait3A_485 = tpu.memref_slice %arg13[%dma_wait3A_482, %dma_wait3A_483, %dma_wait3A_484] : memref<5x40x64xf32, #tpu.memory_space<vmem>> -> memref<1x40x64xf32, #tpu.memory_space<vmem>>
      %dma_wait3A_486 = tpu.memref_squeeze %dma_wait3A_485 : memref<1x40x64xf32, #tpu.memory_space<vmem>> -> memref<40x64xf32, #tpu.memory_space<vmem>>
      %dma_wait3A_487 = arith.constant 0 : i32
      %dma_wait3A_488 = tpu.memref_slice %arg10[%add3A_481, %dma_wait3A_487] : memref<500x40xi32, #tpu.memory_space<vmem>> -> memref<1x40xi32, #tpu.memory_space<vmem>>
      %dma_wait3A_489 = tpu.memref_squeeze %dma_wait3A_488 : memref<1x40xi32, #tpu.memory_space<vmem>> -> memref<40xi32, #tpu.memory_space<vmem>>
      %dma_wait3A_490 = arith.constant 0 : i32
      %dma_wait3A_491 = tpu.memref_slice %arg2[%arg0, %dma_wait3A_490] : memref<20000x64xf32, #tpu.memory_space<hbm>> -> memref<19999x64xf32, #tpu.memory_space<hbm>>
      %dma_wait3A_492 = arith.constant 0 : i32
      %dma_wait3A_493 = arith.constant 0 : i32
      %dma_wait3A_494 = tpu.memref_slice %dma_wait3A_491[%dma_wait3A_492, %dma_wait3A_493] : memref<19999x64xf32, #tpu.memory_space<hbm>> -> memref<19999x64xf32, #tpu.memory_space<hbm>>
      tpu.wait_indirect_dma semaphore(%arg17 : memref<!tpu.dma_semaphore, #tpu.memory_space<semaphore_mem>>) src(%dma_wait3A_494 : memref<19999x64xf32, #tpu.memory_space<hbm>>) dst(%dma_wait3A_486 : memref<40x64xf32, #tpu.memory_space<vmem>>)
      %mul3A_495 = arith.constant 5 : i32
      %mul3A_496 = arith.muli %add3A_477, %mul3A_495 : i32
      %add3A_497 = arith.constant 1 : i32
      %add3A_498 = arith.addi %mul3A_496, %add3A_497 : i32
      %dma_wait3A_499 = arith.constant 1 : i32
      %dma_wait3A_500 = arith.constant 0 : i32
      %dma_wait3A_501 = arith.constant 0 : i32
      %dma_wait3A_502 = tpu.memref_slice %arg13[%dma_wait3A_499, %dma_wait3A_500, %dma_wait3A_501] : memref<5x40x64xf32, #tpu.memory_space<vmem>> -> memref<1x40x64xf32, #tpu.memory_space<vmem>>
      %dma_wait3A_503 = tpu.memref_squeeze %dma_wait3A_502 : memref<1x40x64xf32, #tpu.memory_space<vmem>> -> memref<40x64xf32, #tpu.memory_space<vmem>>
      %dma_wait3A_504 = arith.constant 0 : i32
      %dma_wait3A_505 = tpu.memref_slice %arg10[%add3A_498, %dma_wait3A_504] : memref<500x40xi32, #tpu.memory_space<vmem>> -> memref<1x40xi32, #tpu.memory_space<vmem>>
      %dma_wait3A_506 = tpu.memref_squeeze %dma_wait3A_505 : memref<1x40xi32, #tpu.memory_space<vmem>> -> memref<40xi32, #tpu.memory_space<vmem>>
      %dma_wait3A_507 = arith.constant 0 : i32
      %dma_wait3A_508 = tpu.memref_slice %arg2[%arg0, %dma_wait3A_507] : memref<20000x64xf32, #tpu.memory_space<hbm>> -> memref<19999x64xf32, #tpu.memory_space<hbm>>
      %dma_wait3A_509 = arith.constant 0 : i32
      %dma_wait3A_510 = arith.constant 0 : i32
      %dma_wait3A_511 = tpu.memref_slice %dma_wait3A_508[%dma_wait3A_509, %dma_wait3A_510] : memref<19999x64xf32, #tpu.memory_space<hbm>> -> memref<19999x64xf32, #tpu.memory_space<hbm>>
      tpu.wait_indirect_dma semaphore(%arg17 : memref<!tpu.dma_semaphore, #tpu.memory_space<semaphore_mem>>) src(%dma_wait3A_511 : memref<19999x64xf32, #tpu.memory_space<hbm>>) dst(%dma_wait3A_503 : memref<40x64xf32, #tpu.memory_space<vmem>>)
      %mul3A_512 = arith.constant 5 : i32
      %mul3A_513 = arith.muli %add3A_477, %mul3A_512 : i32
      %add3A_514 = arith.constant 2 : i32
      %add3A_515 = arith.addi %mul3A_513, %add3A_514 : i32
      %dma_wait3A_516 = arith.constant 2 : i32
      %dma_wait3A_517 = arith.constant 0 : i32
      %dma_wait3A_518 = arith.constant 0 : i32
      %dma_wait3A_519 = tpu.memref_slice %arg13[%dma_wait3A_516, %dma_wait3A_517, %dma_wait3A_518] : memref<5x40x64xf32, #tpu.memory_space<vmem>> -> memref<1x40x64xf32, #tpu.memory_space<vmem>>
      %dma_wait3A_520 = tpu.memref_squeeze %dma_wait3A_519 : memref<1x40x64xf32, #tpu.memory_space<vmem>> -> memref<40x64xf32, #tpu.memory_space<vmem>>
      %dma_wait3A_521 = arith.constant 0 : i32
      %dma_wait3A_522 = tpu.memref_slice %arg10[%add3A_515, %dma_wait3A_521] : memref<500x40xi32, #tpu.memory_space<vmem>> -> memref<1x40xi32, #tpu.memory_space<vmem>>
      %dma_wait3A_523 = tpu.memref_squeeze %dma_wait3A_522 : memref<1x40xi32, #tpu.memory_space<vmem>> -> memref<40xi32, #tpu.memory_space<vmem>>
      %dma_wait3A_524 = arith.constant 0 : i32
      %dma_wait3A_525 = tpu.memref_slice %arg2[%arg0, %dma_wait3A_524] : memref<20000x64xf32, #tpu.memory_space<hbm>> -> memref<19999x64xf32, #tpu.memory_space<hbm>>
      %dma_wait3A_526 = arith.constant 0 : i32
      %dma_wait3A_527 = arith.constant 0 : i32
      %dma_wait3A_528 = tpu.memref_slice %dma_wait3A_525[%dma_wait3A_526, %dma_wait3A_527] : memref<19999x64xf32, #tpu.memory_space<hbm>> -> memref<19999x64xf32, #tpu.memory_space<hbm>>
      tpu.wait_indirect_dma semaphore(%arg17 : memref<!tpu.dma_semaphore, #tpu.memory_space<semaphore_mem>>) src(%dma_wait3A_528 : memref<19999x64xf32, #tpu.memory_space<hbm>>) dst(%dma_wait3A_520 : memref<40x64xf32, #tpu.memory_space<vmem>>)
      %mul3A_529 = arith.constant 5 : i32
      %mul3A_530 = arith.muli %add3A_477, %mul3A_529 : i32
      %add3A_531 = arith.constant 3 : i32
      %add3A_532 = arith.addi %mul3A_530, %add3A_531 : i32
      %dma_wait3A_533 = arith.constant 3 : i32
      %dma_wait3A_534 = arith.constant 0 : i32
      %dma_wait3A_535 = arith.constant 0 : i32
      %dma_wait3A_536 = tpu.memref_slice %arg13[%dma_wait3A_533, %dma_wait3A_534, %dma_wait3A_535] : memref<5x40x64xf32, #tpu.memory_space<vmem>> -> memref<1x40x64xf32, #tpu.memory_space<vmem>>
      %dma_wait3A_537 = tpu.memref_squeeze %dma_wait3A_536 : memref<1x40x64xf32, #tpu.memory_space<vmem>> -> memref<40x64xf32, #tpu.memory_space<vmem>>
      %dma_wait3A_538 = arith.constant 0 : i32
      %dma_wait3A_539 = tpu.memref_slice %arg10[%add3A_532, %dma_wait3A_538] : memref<500x40xi32, #tpu.memory_space<vmem>> -> memref<1x40xi32, #tpu.memory_space<vmem>>
      %dma_wait3A_540 = tpu.memref_squeeze %dma_wait3A_539 : memref<1x40xi32, #tpu.memory_space<vmem>> -> memref<40xi32, #tpu.memory_space<vmem>>
      %dma_wait3A_541 = arith.constant 0 : i32
      %dma_wait3A_542 = tpu.memref_slice %arg2[%arg0, %dma_wait3A_541] : memref<20000x64xf32, #tpu.memory_space<hbm>> -> memref<19999x64xf32, #tpu.memory_space<hbm>>
      %dma_wait3A_543 = arith.constant 0 : i32
      %dma_wait3A_544 = arith.constant 0 : i32
      %dma_wait3A_545 = tpu.memref_slice %dma_wait3A_542[%dma_wait3A_543, %dma_wait3A_544] : memref<19999x64xf32, #tpu.memory_space<hbm>> -> memref<19999x64xf32, #tpu.memory_space<hbm>>
      tpu.wait_indirect_dma semaphore(%arg17 : memref<!tpu.dma_semaphore, #tpu.memory_space<semaphore_mem>>) src(%dma_wait3A_545 : memref<19999x64xf32, #tpu.memory_space<hbm>>) dst(%dma_wait3A_537 : memref<40x64xf32, #tpu.memory_space<vmem>>)
      %mul3A_546 = arith.constant 5 : i32
      %mul3A_547 = arith.muli %add3A_477, %mul3A_546 : i32
      %add3A_548 = arith.constant 4 : i32
      %add3A_549 = arith.addi %mul3A_547, %add3A_548 : i32
      %dma_wait3A_550 = arith.constant 4 : i32
      %dma_wait3A_551 = arith.constant 0 : i32
      %dma_wait3A_552 = arith.constant 0 : i32
      %dma_wait3A_553 = tpu.memref_slice %arg13[%dma_wait3A_550, %dma_wait3A_551, %dma_wait3A_552] : memref<5x40x64xf32, #tpu.memory_space<vmem>> -> memref<1x40x64xf32, #tpu.memory_space<vmem>>
      %dma_wait3A_554 = tpu.memref_squeeze %dma_wait3A_553 : memref<1x40x64xf32, #tpu.memory_space<vmem>> -> memref<40x64xf32, #tpu.memory_space<vmem>>
      %dma_wait3A_555 = arith.constant 0 : i32
      %dma_wait3A_556 = tpu.memref_slice %arg10[%add3A_549, %dma_wait3A_555] : memref<500x40xi32, #tpu.memory_space<vmem>> -> memref<1x40xi32, #tpu.memory_space<vmem>>
      %dma_wait3A_557 = tpu.memref_squeeze %dma_wait3A_556 : memref<1x40xi32, #tpu.memory_space<vmem>> -> memref<40xi32, #tpu.memory_space<vmem>>
      %dma_wait3A_558 = arith.constant 0 : i32
      %dma_wait3A_559 = tpu.memref_slice %arg2[%arg0, %dma_wait3A_558] : memref<20000x64xf32, #tpu.memory_space<hbm>> -> memref<19999x64xf32, #tpu.memory_space<hbm>>
      %dma_wait3A_560 = arith.constant 0 : i32
      %dma_wait3A_561 = arith.constant 0 : i32
      %dma_wait3A_562 = tpu.memref_slice %dma_wait3A_559[%dma_wait3A_560, %dma_wait3A_561] : memref<19999x64xf32, #tpu.memory_space<hbm>> -> memref<19999x64xf32, #tpu.memory_space<hbm>>
      tpu.wait_indirect_dma semaphore(%arg17 : memref<!tpu.dma_semaphore, #tpu.memory_space<semaphore_mem>>) src(%dma_wait3A_562 : memref<19999x64xf32, #tpu.memory_space<hbm>>) dst(%dma_wait3A_554 : memref<40x64xf32, #tpu.memory_space<vmem>>)
      %add3A_563 = arith.constant 1 : i32
      %add3A_564 = arith.addi %mul3A_211, %add3A_563 : i32
      %mul3A_565 = arith.constant 5 : i32
      %mul3A_566 = arith.muli %add3A_564, %mul3A_565 : i32
      %add3A_567 = arith.constant 0 : i32
      %add3A_568 = arith.addi %mul3A_566, %add3A_567 : i32
      %dma_start3A_569 = arith.constant 0 : i32
      %dma_start3A_570 = arith.constant 0 : i32
      %dma_start3A_571 = arith.constant 0 : i32
      %dma_start3A_572 = tpu.memref_slice %arg13[%dma_start3A_569, %dma_start3A_570, %dma_start3A_571] : memref<5x40x64xf32, #tpu.memory_space<vmem>> -> memref<1x40x64xf32, #tpu.memory_space<vmem>>
      %dma_start3A_573 = tpu.memref_squeeze %dma_start3A_572 : memref<1x40x64xf32, #tpu.memory_space<vmem>> -> memref<40x64xf32, #tpu.memory_space<vmem>>
      %dma_start3A_574 = arith.constant 0 : i32
      %dma_start3A_575 = tpu.memref_slice %arg11[%add3A_568, %dma_start3A_574] : memref<500x40xi32, #tpu.memory_space<vmem>> -> memref<1x40xi32, #tpu.memory_space<vmem>>
      %dma_start3A_576 = tpu.memref_squeeze %dma_start3A_575 : memref<1x40xi32, #tpu.memory_space<vmem>> -> memref<40xi32, #tpu.memory_space<vmem>>
      %dma_start3A_577 = arith.constant 0 : i32
      %dma_start3A_578 = arith.constant 0 : i32
      %dma_start3A_579 = tpu.memref_slice %arg15[%dma_start3A_577, %dma_start3A_578] : memref<10240x64xf32, #tpu.memory_space<vmem_shared>> -> memref<10240x64xf32, #tpu.memory_space<vmem_shared>>
      tpu.enqueue_indirect_dma source(%dma_start3A_573 : memref<40x64xf32, #tpu.memory_space<vmem>>) target(%dma_start3A_579 : memref<10240x64xf32, #tpu.memory_space<vmem_shared>>) offsets(%dma_start3A_576 : memref<40xi32, #tpu.memory_space<vmem>>) semaphore(%arg18 : memref<!tpu.dma_semaphore, #tpu.memory_space<semaphore_mem>>) {add = true}
      %mul3A_580 = arith.constant 5 : i32
      %mul3A_581 = arith.muli %add3A_564, %mul3A_580 : i32
      %add3A_582 = arith.constant 1 : i32
      %add3A_583 = arith.addi %mul3A_581, %add3A_582 : i32
      %dma_start3A_584 = arith.constant 1 : i32
      %dma_start3A_585 = arith.constant 0 : i32
      %dma_start3A_586 = arith.constant 0 : i32
      %dma_start3A_587 = tpu.memref_slice %arg13[%dma_start3A_584, %dma_start3A_585, %dma_start3A_586] : memref<5x40x64xf32, #tpu.memory_space<vmem>> -> memref<1x40x64xf32, #tpu.memory_space<vmem>>
      %dma_start3A_588 = tpu.memref_squeeze %dma_start3A_587 : memref<1x40x64xf32, #tpu.memory_space<vmem>> -> memref<40x64xf32, #tpu.memory_space<vmem>>
      %dma_start3A_589 = arith.constant 0 : i32
      %dma_start3A_590 = tpu.memref_slice %arg11[%add3A_583, %dma_start3A_589] : memref<500x40xi32, #tpu.memory_space<vmem>> -> memref<1x40xi32, #tpu.memory_space<vmem>>
      %dma_start3A_591 = tpu.memref_squeeze %dma_start3A_590 : memref<1x40xi32, #tpu.memory_space<vmem>> -> memref<40xi32, #tpu.memory_space<vmem>>
      %dma_start3A_592 = arith.constant 0 : i32
      %dma_start3A_593 = arith.constant 0 : i32
      %dma_start3A_594 = tpu.memref_slice %arg15[%dma_start3A_592, %dma_start3A_593] : memref<10240x64xf32, #tpu.memory_space<vmem_shared>> -> memref<10240x64xf32, #tpu.memory_space<vmem_shared>>
      tpu.enqueue_indirect_dma source(%dma_start3A_588 : memref<40x64xf32, #tpu.memory_space<vmem>>) target(%dma_start3A_594 : memref<10240x64xf32, #tpu.memory_space<vmem_shared>>) offsets(%dma_start3A_591 : memref<40xi32, #tpu.memory_space<vmem>>) semaphore(%arg18 : memref<!tpu.dma_semaphore, #tpu.memory_space<semaphore_mem>>) {add = true}
      %mul3A_595 = arith.constant 5 : i32
      %mul3A_596 = arith.muli %add3A_564, %mul3A_595 : i32
      %add3A_597 = arith.constant 2 : i32
      %add3A_598 = arith.addi %mul3A_596, %add3A_597 : i32
      %dma_start3A_599 = arith.constant 2 : i32
      %dma_start3A_600 = arith.constant 0 : i32
      %dma_start3A_601 = arith.constant 0 : i32
      %dma_start3A_602 = tpu.memref_slice %arg13[%dma_start3A_599, %dma_start3A_600, %dma_start3A_601] : memref<5x40x64xf32, #tpu.memory_space<vmem>> -> memref<1x40x64xf32, #tpu.memory_space<vmem>>
      %dma_start3A_603 = tpu.memref_squeeze %dma_start3A_602 : memref<1x40x64xf32, #tpu.memory_space<vmem>> -> memref<40x64xf32, #tpu.memory_space<vmem>>
      %dma_start3A_604 = arith.constant 0 : i32
      %dma_start3A_605 = tpu.memref_slice %arg11[%add3A_598, %dma_start3A_604] : memref<500x40xi32, #tpu.memory_space<vmem>> -> memref<1x40xi32, #tpu.memory_space<vmem>>
      %dma_start3A_606 = tpu.memref_squeeze %dma_start3A_605 : memref<1x40xi32, #tpu.memory_space<vmem>> -> memref<40xi32, #tpu.memory_space<vmem>>
      %dma_start3A_607 = arith.constant 0 : i32
      %dma_start3A_608 = arith.constant 0 : i32
      %dma_start3A_609 = tpu.memref_slice %arg15[%dma_start3A_607, %dma_start3A_608] : memref<10240x64xf32, #tpu.memory_space<vmem_shared>> -> memref<10240x64xf32, #tpu.memory_space<vmem_shared>>
      tpu.enqueue_indirect_dma source(%dma_start3A_603 : memref<40x64xf32, #tpu.memory_space<vmem>>) target(%dma_start3A_609 : memref<10240x64xf32, #tpu.memory_space<vmem_shared>>) offsets(%dma_start3A_606 : memref<40xi32, #tpu.memory_space<vmem>>) semaphore(%arg18 : memref<!tpu.dma_semaphore, #tpu.memory_space<semaphore_mem>>) {add = true}
      %mul3A_610 = arith.constant 5 : i32
      %mul3A_611 = arith.muli %add3A_564, %mul3A_610 : i32
      %add3A_612 = arith.constant 3 : i32
      %add3A_613 = arith.addi %mul3A_611, %add3A_612 : i32
      %dma_start3A_614 = arith.constant 3 : i32
      %dma_start3A_615 = arith.constant 0 : i32
      %dma_start3A_616 = arith.constant 0 : i32
      %dma_start3A_617 = tpu.memref_slice %arg13[%dma_start3A_614, %dma_start3A_615, %dma_start3A_616] : memref<5x40x64xf32, #tpu.memory_space<vmem>> -> memref<1x40x64xf32, #tpu.memory_space<vmem>>
      %dma_start3A_618 = tpu.memref_squeeze %dma_start3A_617 : memref<1x40x64xf32, #tpu.memory_space<vmem>> -> memref<40x64xf32, #tpu.memory_space<vmem>>
      %dma_start3A_619 = arith.constant 0 : i32
      %dma_start3A_620 = tpu.memref_slice %arg11[%add3A_613, %dma_start3A_619] : memref<500x40xi32, #tpu.memory_space<vmem>> -> memref<1x40xi32, #tpu.memory_space<vmem>>
      %dma_start3A_621 = tpu.memref_squeeze %dma_start3A_620 : memref<1x40xi32, #tpu.memory_space<vmem>> -> memref<40xi32, #tpu.memory_space<vmem>>
      %dma_start3A_622 = arith.constant 0 : i32
      %dma_start3A_623 = arith.constant 0 : i32
      %dma_start3A_624 = tpu.memref_slice %arg15[%dma_start3A_622, %dma_start3A_623] : memref<10240x64xf32, #tpu.memory_space<vmem_shared>> -> memref<10240x64xf32, #tpu.memory_space<vmem_shared>>
      tpu.enqueue_indirect_dma source(%dma_start3A_618 : memref<40x64xf32, #tpu.memory_space<vmem>>) target(%dma_start3A_624 : memref<10240x64xf32, #tpu.memory_space<vmem_shared>>) offsets(%dma_start3A_621 : memref<40xi32, #tpu.memory_space<vmem>>) semaphore(%arg18 : memref<!tpu.dma_semaphore, #tpu.memory_space<semaphore_mem>>) {add = true}
      %mul3A_625 = arith.constant 5 : i32
      %mul3A_626 = arith.muli %add3A_564, %mul3A_625 : i32
      %add3A_627 = arith.constant 4 : i32
      %add3A_628 = arith.addi %mul3A_626, %add3A_627 : i32
      %dma_start3A_629 = arith.constant 4 : i32
      %dma_start3A_630 = arith.constant 0 : i32
      %dma_start3A_631 = arith.constant 0 : i32
      %dma_start3A_632 = tpu.memref_slice %arg13[%dma_start3A_629, %dma_start3A_630, %dma_start3A_631] : memref<5x40x64xf32, #tpu.memory_space<vmem>> -> memref<1x40x64xf32, #tpu.memory_space<vmem>>
      %dma_start3A_633 = tpu.memref_squeeze %dma_start3A_632 : memref<1x40x64xf32, #tpu.memory_space<vmem>> -> memref<40x64xf32, #tpu.memory_space<vmem>>
      %dma_start3A_634 = arith.constant 0 : i32
      %dma_start3A_635 = tpu.memref_slice %arg11[%add3A_628, %dma_start3A_634] : memref<500x40xi32, #tpu.memory_space<vmem>> -> memref<1x40xi32, #tpu.memory_space<vmem>>
      %dma_start3A_636 = tpu.memref_squeeze %dma_start3A_635 : memref<1x40xi32, #tpu.memory_space<vmem>> -> memref<40xi32, #tpu.memory_space<vmem>>
      %dma_start3A_637 = arith.constant 0 : i32
      %dma_start3A_638 = arith.constant 0 : i32
      %dma_start3A_639 = tpu.memref_slice %arg15[%dma_start3A_637, %dma_start3A_638] : memref<10240x64xf32, #tpu.memory_space<vmem_shared>> -> memref<10240x64xf32, #tpu.memory_space<vmem_shared>>
      tpu.enqueue_indirect_dma source(%dma_start3A_633 : memref<40x64xf32, #tpu.memory_space<vmem>>) target(%dma_start3A_639 : memref<10240x64xf32, #tpu.memory_space<vmem_shared>>) offsets(%dma_start3A_636 : memref<40xi32, #tpu.memory_space<vmem>>) semaphore(%arg18 : memref<!tpu.dma_semaphore, #tpu.memory_space<semaphore_mem>>) {add = true}
      %lt3A_640 = arith.constant 50 : i32
      %lt3A_641 = arith.cmpi slt, %add3A_564, %lt3A_640 : i32
      %eq3A_642 = arith.constant 0 : i32
      %eq3A_643 = arith.cmpi eq, %arg0, %eq3A_642 : i32
      %eq3A_644 = arith.xori %lt3A_641, %eq3A_643 : i1
      %eq3A_645 = arith.constant true
      %eq3A_646 = arith.xori %eq3A_644, %eq3A_645 : i1
      %convert_element_type3A_647 = arith.extui %eq3A_646 : i1 to i32
      %cond3A_648 = arith.constant 0 : i32
      %cond3A_649 = arith.cmpi ne, %convert_element_type3A_647, %cond3A_648 : i32
      scf.if %cond3A_649 {
        %mul3A_650 = arith.constant 5 : i32
        %mul3A_651 = arith.muli %add3A_564, %mul3A_650 : i32
        %add3A_652 = arith.constant 0 : i32
        %add3A_653 = arith.addi %mul3A_651, %add3A_652 : i32
        %dma_start3A_654 = arith.constant 0 : i32
        %dma_start3A_655 = tpu.memref_slice %arg11[%add3A_653, %dma_start3A_654] : memref<500x40xi32, #tpu.memory_space<vmem>> -> memref<1x40xi32, #tpu.memory_space<vmem>>
        %dma_start3A_656 = tpu.memref_squeeze %dma_start3A_655 : memref<1x40xi32, #tpu.memory_space<vmem>> -> memref<40xi32, #tpu.memory_space<vmem>>
        %dma_start3A_657 = arith.constant 0 : i32
        %dma_start3A_658 = arith.constant 0 : i32
        %dma_start3A_659 = tpu.memref_slice %arg16[%dma_start3A_657, %dma_start3A_658] : memref<10240x8xf32, #tpu.memory_space<vmem_shared>> -> memref<10240x8xf32, #tpu.memory_space<vmem_shared>>
        tpu.enqueue_indirect_dma source(%arg14 : memref<40x8xf32, #tpu.memory_space<vmem>>) target(%dma_start3A_659 : memref<10240x8xf32, #tpu.memory_space<vmem_shared>>) offsets(%dma_start3A_656 : memref<40xi32, #tpu.memory_space<vmem>>) semaphore(%arg19 : memref<!tpu.dma_semaphore, #tpu.memory_space<semaphore_mem>>) {add = true}
        %mul3A_660 = arith.constant 5 : i32
        %mul3A_661 = arith.muli %add3A_564, %mul3A_660 : i32
        %add3A_662 = arith.constant 1 : i32
        %add3A_663 = arith.addi %mul3A_661, %add3A_662 : i32
        %dma_start3A_664 = arith.constant 0 : i32
        %dma_start3A_665 = tpu.memref_slice %arg11[%add3A_663, %dma_start3A_664] : memref<500x40xi32, #tpu.memory_space<vmem>> -> memref<1x40xi32, #tpu.memory_space<vmem>>
        %dma_start3A_666 = tpu.memref_squeeze %dma_start3A_665 : memref<1x40xi32, #tpu.memory_space<vmem>> -> memref<40xi32, #tpu.memory_space<vmem>>
        %dma_start3A_667 = arith.constant 0 : i32
        %dma_start3A_668 = arith.constant 0 : i32
        %dma_start3A_669 = tpu.memref_slice %arg16[%dma_start3A_667, %dma_start3A_668] : memref<10240x8xf32, #tpu.memory_space<vmem_shared>> -> memref<10240x8xf32, #tpu.memory_space<vmem_shared>>
        tpu.enqueue_indirect_dma source(%arg14 : memref<40x8xf32, #tpu.memory_space<vmem>>) target(%dma_start3A_669 : memref<10240x8xf32, #tpu.memory_space<vmem_shared>>) offsets(%dma_start3A_666 : memref<40xi32, #tpu.memory_space<vmem>>) semaphore(%arg19 : memref<!tpu.dma_semaphore, #tpu.memory_space<semaphore_mem>>) {add = true}
        %mul3A_670 = arith.constant 5 : i32
        %mul3A_671 = arith.muli %add3A_564, %mul3A_670 : i32
        %add3A_672 = arith.constant 2 : i32
        %add3A_673 = arith.addi %mul3A_671, %add3A_672 : i32
        %dma_start3A_674 = arith.constant 0 : i32
        %dma_start3A_675 = tpu.memref_slice %arg11[%add3A_673, %dma_start3A_674] : memref<500x40xi32, #tpu.memory_space<vmem>> -> memref<1x40xi32, #tpu.memory_space<vmem>>
        %dma_start3A_676 = tpu.memref_squeeze %dma_start3A_675 : memref<1x40xi32, #tpu.memory_space<vmem>> -> memref<40xi32, #tpu.memory_space<vmem>>
        %dma_start3A_677 = arith.constant 0 : i32
        %dma_start3A_678 = arith.constant 0 : i32
        %dma_start3A_679 = tpu.memref_slice %arg16[%dma_start3A_677, %dma_start3A_678] : memref<10240x8xf32, #tpu.memory_space<vmem_shared>> -> memref<10240x8xf32, #tpu.memory_space<vmem_shared>>
        tpu.enqueue_indirect_dma source(%arg14 : memref<40x8xf32, #tpu.memory_space<vmem>>) target(%dma_start3A_679 : memref<10240x8xf32, #tpu.memory_space<vmem_shared>>) offsets(%dma_start3A_676 : memref<40xi32, #tpu.memory_space<vmem>>) semaphore(%arg19 : memref<!tpu.dma_semaphore, #tpu.memory_space<semaphore_mem>>) {add = true}
        %mul3A_680 = arith.constant 5 : i32
        %mul3A_681 = arith.muli %add3A_564, %mul3A_680 : i32
        %add3A_682 = arith.constant 3 : i32
        %add3A_683 = arith.addi %mul3A_681, %add3A_682 : i32
        %dma_start3A_684 = arith.constant 0 : i32
        %dma_start3A_685 = tpu.memref_slice %arg11[%add3A_683, %dma_start3A_684] : memref<500x40xi32, #tpu.memory_space<vmem>> -> memref<1x40xi32, #tpu.memory_space<vmem>>
        %dma_start3A_686 = tpu.memref_squeeze %dma_start3A_685 : memref<1x40xi32, #tpu.memory_space<vmem>> -> memref<40xi32, #tpu.memory_space<vmem>>
        %dma_start3A_687 = arith.constant 0 : i32
        %dma_start3A_688 = arith.constant 0 : i32
        %dma_start3A_689 = tpu.memref_slice %arg16[%dma_start3A_687, %dma_start3A_688] : memref<10240x8xf32, #tpu.memory_space<vmem_shared>> -> memref<10240x8xf32, #tpu.memory_space<vmem_shared>>
        tpu.enqueue_indirect_dma source(%arg14 : memref<40x8xf32, #tpu.memory_space<vmem>>) target(%dma_start3A_689 : memref<10240x8xf32, #tpu.memory_space<vmem_shared>>) offsets(%dma_start3A_686 : memref<40xi32, #tpu.memory_space<vmem>>) semaphore(%arg19 : memref<!tpu.dma_semaphore, #tpu.memory_space<semaphore_mem>>) {add = true}
        %mul3A_690 = arith.constant 5 : i32
        %mul3A_691 = arith.muli %add3A_564, %mul3A_690 : i32
        %add3A_692 = arith.constant 4 : i32
        %add3A_693 = arith.addi %mul3A_691, %add3A_692 : i32
        %dma_start3A_694 = arith.constant 0 : i32
        %dma_start3A_695 = tpu.memref_slice %arg11[%add3A_693, %dma_start3A_694] : memref<500x40xi32, #tpu.memory_space<vmem>> -> memref<1x40xi32, #tpu.memory_space<vmem>>
        %dma_start3A_696 = tpu.memref_squeeze %dma_start3A_695 : memref<1x40xi32, #tpu.memory_space<vmem>> -> memref<40xi32, #tpu.memory_space<vmem>>
        %dma_start3A_697 = arith.constant 0 : i32
        %dma_start3A_698 = arith.constant 0 : i32
        %dma_start3A_699 = tpu.memref_slice %arg16[%dma_start3A_697, %dma_start3A_698] : memref<10240x8xf32, #tpu.memory_space<vmem_shared>> -> memref<10240x8xf32, #tpu.memory_space<vmem_shared>>
        tpu.enqueue_indirect_dma source(%arg14 : memref<40x8xf32, #tpu.memory_space<vmem>>) target(%dma_start3A_699 : memref<10240x8xf32, #tpu.memory_space<vmem_shared>>) offsets(%dma_start3A_696 : memref<40xi32, #tpu.memory_space<vmem>>) semaphore(%arg19 : memref<!tpu.dma_semaphore, #tpu.memory_space<semaphore_mem>>) {add = true}
      } else {
      }
    }
    %scan3A_78 = arith.constant 50 : i32
    %dma_wait3A = arith.constant 0 : i32
    %dma_wait3A_79 = arith.constant 490 : i32
    %dma_wait3A_80 = arith.constant 0 : i32
    %dma_wait3A_81 = arith.constant 0 : i32
    %dma_wait3A_82 = tpu.memref_slice %arg12[%dma_wait3A, %dma_wait3A_80, %dma_wait3A_81] : memref<5x40x64xf32, #tpu.memory_space<vmem>> -> memref<1x40x64xf32, #tpu.memory_space<vmem>>
    %dma_wait3A_83 = tpu.memref_squeeze %dma_wait3A_82 : memref<1x40x64xf32, #tpu.memory_space<vmem>> -> memref<40x64xf32, #tpu.memory_space<vmem>>
    %dma_wait3A_84 = arith.constant 0 : i32
    %dma_wait3A_85 = tpu.memref_slice %arg11[%dma_wait3A_79, %dma_wait3A_84] : memref<500x40xi32, #tpu.memory_space<vmem>> -> memref<1x40xi32, #tpu.memory_space<vmem>>
    %dma_wait3A_86 = tpu.memref_squeeze %dma_wait3A_85 : memref<1x40xi32, #tpu.memory_space<vmem>> -> memref<40xi32, #tpu.memory_space<vmem>>
    %dma_wait3A_87 = arith.constant 0 : i32
    %dma_wait3A_88 = arith.constant 0 : i32
    %dma_wait3A_89 = tpu.memref_slice %arg15[%dma_wait3A_87, %dma_wait3A_88] : memref<10240x64xf32, #tpu.memory_space<vmem_shared>> -> memref<10240x64xf32, #tpu.memory_space<vmem_shared>>
    tpu.wait_indirect_dma semaphore(%arg18 : memref<!tpu.dma_semaphore, #tpu.memory_space<semaphore_mem>>) src(%dma_wait3A_83 : memref<40x64xf32, #tpu.memory_space<vmem>>) dst(%dma_wait3A_89 : memref<10240x64xf32, #tpu.memory_space<vmem_shared>>)
    %dma_wait3A_90 = arith.constant 1 : i32
    %dma_wait3A_91 = arith.constant 491 : i32
    %dma_wait3A_92 = arith.constant 0 : i32
    %dma_wait3A_93 = arith.constant 0 : i32
    %dma_wait3A_94 = tpu.memref_slice %arg12[%dma_wait3A_90, %dma_wait3A_92, %dma_wait3A_93] : memref<5x40x64xf32, #tpu.memory_space<vmem>> -> memref<1x40x64xf32, #tpu.memory_space<vmem>>
    %dma_wait3A_95 = tpu.memref_squeeze %dma_wait3A_94 : memref<1x40x64xf32, #tpu.memory_space<vmem>> -> memref<40x64xf32, #tpu.memory_space<vmem>>
    %dma_wait3A_96 = arith.constant 0 : i32
    %dma_wait3A_97 = tpu.memref_slice %arg11[%dma_wait3A_91, %dma_wait3A_96] : memref<500x40xi32, #tpu.memory_space<vmem>> -> memref<1x40xi32, #tpu.memory_space<vmem>>
    %dma_wait3A_98 = tpu.memref_squeeze %dma_wait3A_97 : memref<1x40xi32, #tpu.memory_space<vmem>> -> memref<40xi32, #tpu.memory_space<vmem>>
    %dma_wait3A_99 = arith.constant 0 : i32
    %dma_wait3A_100 = arith.constant 0 : i32
    %dma_wait3A_101 = tpu.memref_slice %arg15[%dma_wait3A_99, %dma_wait3A_100] : memref<10240x64xf32, #tpu.memory_space<vmem_shared>> -> memref<10240x64xf32, #tpu.memory_space<vmem_shared>>
    tpu.wait_indirect_dma semaphore(%arg18 : memref<!tpu.dma_semaphore, #tpu.memory_space<semaphore_mem>>) src(%dma_wait3A_95 : memref<40x64xf32, #tpu.memory_space<vmem>>) dst(%dma_wait3A_101 : memref<10240x64xf32, #tpu.memory_space<vmem_shared>>)
    %dma_wait3A_102 = arith.constant 2 : i32
    %dma_wait3A_103 = arith.constant 492 : i32
    %dma_wait3A_104 = arith.constant 0 : i32
    %dma_wait3A_105 = arith.constant 0 : i32
    %dma_wait3A_106 = tpu.memref_slice %arg12[%dma_wait3A_102, %dma_wait3A_104, %dma_wait3A_105] : memref<5x40x64xf32, #tpu.memory_space<vmem>> -> memref<1x40x64xf32, #tpu.memory_space<vmem>>
    %dma_wait3A_107 = tpu.memref_squeeze %dma_wait3A_106 : memref<1x40x64xf32, #tpu.memory_space<vmem>> -> memref<40x64xf32, #tpu.memory_space<vmem>>
    %dma_wait3A_108 = arith.constant 0 : i32
    %dma_wait3A_109 = tpu.memref_slice %arg11[%dma_wait3A_103, %dma_wait3A_108] : memref<500x40xi32, #tpu.memory_space<vmem>> -> memref<1x40xi32, #tpu.memory_space<vmem>>
    %dma_wait3A_110 = tpu.memref_squeeze %dma_wait3A_109 : memref<1x40xi32, #tpu.memory_space<vmem>> -> memref<40xi32, #tpu.memory_space<vmem>>
    %dma_wait3A_111 = arith.constant 0 : i32
    %dma_wait3A_112 = arith.constant 0 : i32
    %dma_wait3A_113 = tpu.memref_slice %arg15[%dma_wait3A_111, %dma_wait3A_112] : memref<10240x64xf32, #tpu.memory_space<vmem_shared>> -> memref<10240x64xf32, #tpu.memory_space<vmem_shared>>
    tpu.wait_indirect_dma semaphore(%arg18 : memref<!tpu.dma_semaphore, #tpu.memory_space<semaphore_mem>>) src(%dma_wait3A_107 : memref<40x64xf32, #tpu.memory_space<vmem>>) dst(%dma_wait3A_113 : memref<10240x64xf32, #tpu.memory_space<vmem_shared>>)
    %dma_wait3A_114 = arith.constant 3 : i32
    %dma_wait3A_115 = arith.constant 493 : i32
    %dma_wait3A_116 = arith.constant 0 : i32
    %dma_wait3A_117 = arith.constant 0 : i32
    %dma_wait3A_118 = tpu.memref_slice %arg12[%dma_wait3A_114, %dma_wait3A_116, %dma_wait3A_117] : memref<5x40x64xf32, #tpu.memory_space<vmem>> -> memref<1x40x64xf32, #tpu.memory_space<vmem>>
    %dma_wait3A_119 = tpu.memref_squeeze %dma_wait3A_118 : memref<1x40x64xf32, #tpu.memory_space<vmem>> -> memref<40x64xf32, #tpu.memory_space<vmem>>
    %dma_wait3A_120 = arith.constant 0 : i32
    %dma_wait3A_121 = tpu.memref_slice %arg11[%dma_wait3A_115, %dma_wait3A_120] : memref<500x40xi32, #tpu.memory_space<vmem>> -> memref<1x40xi32, #tpu.memory_space<vmem>>
    %dma_wait3A_122 = tpu.memref_squeeze %dma_wait3A_121 : memref<1x40xi32, #tpu.memory_space<vmem>> -> memref<40xi32, #tpu.memory_space<vmem>>
    %dma_wait3A_123 = arith.constant 0 : i32
    %dma_wait3A_124 = arith.constant 0 : i32
    %dma_wait3A_125 = tpu.memref_slice %arg15[%dma_wait3A_123, %dma_wait3A_124] : memref<10240x64xf32, #tpu.memory_space<vmem_shared>> -> memref<10240x64xf32, #tpu.memory_space<vmem_shared>>
    tpu.wait_indirect_dma semaphore(%arg18 : memref<!tpu.dma_semaphore, #tpu.memory_space<semaphore_mem>>) src(%dma_wait3A_119 : memref<40x64xf32, #tpu.memory_space<vmem>>) dst(%dma_wait3A_125 : memref<10240x64xf32, #tpu.memory_space<vmem_shared>>)
    %dma_wait3A_126 = arith.constant 4 : i32
    %dma_wait3A_127 = arith.constant 494 : i32
    %dma_wait3A_128 = arith.constant 0 : i32
    %dma_wait3A_129 = arith.constant 0 : i32
    %dma_wait3A_130 = tpu.memref_slice %arg12[%dma_wait3A_126, %dma_wait3A_128, %dma_wait3A_129] : memref<5x40x64xf32, #tpu.memory_space<vmem>> -> memref<1x40x64xf32, #tpu.memory_space<vmem>>
    %dma_wait3A_131 = tpu.memref_squeeze %dma_wait3A_130 : memref<1x40x64xf32, #tpu.memory_space<vmem>> -> memref<40x64xf32, #tpu.memory_space<vmem>>
    %dma_wait3A_132 = arith.constant 0 : i32
    %dma_wait3A_133 = tpu.memref_slice %arg11[%dma_wait3A_127, %dma_wait3A_132] : memref<500x40xi32, #tpu.memory_space<vmem>> -> memref<1x40xi32, #tpu.memory_space<vmem>>
    %dma_wait3A_134 = tpu.memref_squeeze %dma_wait3A_133 : memref<1x40xi32, #tpu.memory_space<vmem>> -> memref<40xi32, #tpu.memory_space<vmem>>
    %dma_wait3A_135 = arith.constant 0 : i32
    %dma_wait3A_136 = arith.constant 0 : i32
    %dma_wait3A_137 = tpu.memref_slice %arg15[%dma_wait3A_135, %dma_wait3A_136] : memref<10240x64xf32, #tpu.memory_space<vmem_shared>> -> memref<10240x64xf32, #tpu.memory_space<vmem_shared>>
    tpu.wait_indirect_dma semaphore(%arg18 : memref<!tpu.dma_semaphore, #tpu.memory_space<semaphore_mem>>) src(%dma_wait3A_131 : memref<40x64xf32, #tpu.memory_space<vmem>>) dst(%dma_wait3A_137 : memref<10240x64xf32, #tpu.memory_space<vmem_shared>>)
    %dma_wait3A_138 = arith.constant 0 : i32
    %dma_wait3A_139 = arith.constant 495 : i32
    %dma_wait3A_140 = arith.constant 0 : i32
    %dma_wait3A_141 = arith.constant 0 : i32
    %dma_wait3A_142 = tpu.memref_slice %arg13[%dma_wait3A_138, %dma_wait3A_140, %dma_wait3A_141] : memref<5x40x64xf32, #tpu.memory_space<vmem>> -> memref<1x40x64xf32, #tpu.memory_space<vmem>>
    %dma_wait3A_143 = tpu.memref_squeeze %dma_wait3A_142 : memref<1x40x64xf32, #tpu.memory_space<vmem>> -> memref<40x64xf32, #tpu.memory_space<vmem>>
    %dma_wait3A_144 = arith.constant 0 : i32
    %dma_wait3A_145 = tpu.memref_slice %arg11[%dma_wait3A_139, %dma_wait3A_144] : memref<500x40xi32, #tpu.memory_space<vmem>> -> memref<1x40xi32, #tpu.memory_space<vmem>>
    %dma_wait3A_146 = tpu.memref_squeeze %dma_wait3A_145 : memref<1x40xi32, #tpu.memory_space<vmem>> -> memref<40xi32, #tpu.memory_space<vmem>>
    %dma_wait3A_147 = arith.constant 0 : i32
    %dma_wait3A_148 = arith.constant 0 : i32
    %dma_wait3A_149 = tpu.memref_slice %arg15[%dma_wait3A_147, %dma_wait3A_148] : memref<10240x64xf32, #tpu.memory_space<vmem_shared>> -> memref<10240x64xf32, #tpu.memory_space<vmem_shared>>
    tpu.wait_indirect_dma semaphore(%arg18 : memref<!tpu.dma_semaphore, #tpu.memory_space<semaphore_mem>>) src(%dma_wait3A_143 : memref<40x64xf32, #tpu.memory_space<vmem>>) dst(%dma_wait3A_149 : memref<10240x64xf32, #tpu.memory_space<vmem_shared>>)
    %dma_wait3A_150 = arith.constant 1 : i32
    %dma_wait3A_151 = arith.constant 496 : i32
    %dma_wait3A_152 = arith.constant 0 : i32
    %dma_wait3A_153 = arith.constant 0 : i32
    %dma_wait3A_154 = tpu.memref_slice %arg13[%dma_wait3A_150, %dma_wait3A_152, %dma_wait3A_153] : memref<5x40x64xf32, #tpu.memory_space<vmem>> -> memref<1x40x64xf32, #tpu.memory_space<vmem>>
    %dma_wait3A_155 = tpu.memref_squeeze %dma_wait3A_154 : memref<1x40x64xf32, #tpu.memory_space<vmem>> -> memref<40x64xf32, #tpu.memory_space<vmem>>
    %dma_wait3A_156 = arith.constant 0 : i32
    %dma_wait3A_157 = tpu.memref_slice %arg11[%dma_wait3A_151, %dma_wait3A_156] : memref<500x40xi32, #tpu.memory_space<vmem>> -> memref<1x40xi32, #tpu.memory_space<vmem>>
    %dma_wait3A_158 = tpu.memref_squeeze %dma_wait3A_157 : memref<1x40xi32, #tpu.memory_space<vmem>> -> memref<40xi32, #tpu.memory_space<vmem>>
    %dma_wait3A_159 = arith.constant 0 : i32
    %dma_wait3A_160 = arith.constant 0 : i32
    %dma_wait3A_161 = tpu.memref_slice %arg15[%dma_wait3A_159, %dma_wait3A_160] : memref<10240x64xf32, #tpu.memory_space<vmem_shared>> -> memref<10240x64xf32, #tpu.memory_space<vmem_shared>>
    tpu.wait_indirect_dma semaphore(%arg18 : memref<!tpu.dma_semaphore, #tpu.memory_space<semaphore_mem>>) src(%dma_wait3A_155 : memref<40x64xf32, #tpu.memory_space<vmem>>) dst(%dma_wait3A_161 : memref<10240x64xf32, #tpu.memory_space<vmem_shared>>)
    %dma_wait3A_162 = arith.constant 2 : i32
    %dma_wait3A_163 = arith.constant 497 : i32
    %dma_wait3A_164 = arith.constant 0 : i32
    %dma_wait3A_165 = arith.constant 0 : i32
    %dma_wait3A_166 = tpu.memref_slice %arg13[%dma_wait3A_162, %dma_wait3A_164, %dma_wait3A_165] : memref<5x40x64xf32, #tpu.memory_space<vmem>> -> memref<1x40x64xf32, #tpu.memory_space<vmem>>
    %dma_wait3A_167 = tpu.memref_squeeze %dma_wait3A_166 : memref<1x40x64xf32, #tpu.memory_space<vmem>> -> memref<40x64xf32, #tpu.memory_space<vmem>>
    %dma_wait3A_168 = arith.constant 0 : i32
    %dma_wait3A_169 = tpu.memref_slice %arg11[%dma_wait3A_163, %dma_wait3A_168] : memref<500x40xi32, #tpu.memory_space<vmem>> -> memref<1x40xi32, #tpu.memory_space<vmem>>
    %dma_wait3A_170 = tpu.memref_squeeze %dma_wait3A_169 : memref<1x40xi32, #tpu.memory_space<vmem>> -> memref<40xi32, #tpu.memory_space<vmem>>
    %dma_wait3A_171 = arith.constant 0 : i32
    %dma_wait3A_172 = arith.constant 0 : i32
    %dma_wait3A_173 = tpu.memref_slice %arg15[%dma_wait3A_171, %dma_wait3A_172] : memref<10240x64xf32, #tpu.memory_space<vmem_shared>> -> memref<10240x64xf32, #tpu.memory_space<vmem_shared>>
    tpu.wait_indirect_dma semaphore(%arg18 : memref<!tpu.dma_semaphore, #tpu.memory_space<semaphore_mem>>) src(%dma_wait3A_167 : memref<40x64xf32, #tpu.memory_space<vmem>>) dst(%dma_wait3A_173 : memref<10240x64xf32, #tpu.memory_space<vmem_shared>>)
    %dma_wait3A_174 = arith.constant 3 : i32
    %dma_wait3A_175 = arith.constant 498 : i32
    %dma_wait3A_176 = arith.constant 0 : i32
    %dma_wait3A_177 = arith.constant 0 : i32
    %dma_wait3A_178 = tpu.memref_slice %arg13[%dma_wait3A_174, %dma_wait3A_176, %dma_wait3A_177] : memref<5x40x64xf32, #tpu.memory_space<vmem>> -> memref<1x40x64xf32, #tpu.memory_space<vmem>>
    %dma_wait3A_179 = tpu.memref_squeeze %dma_wait3A_178 : memref<1x40x64xf32, #tpu.memory_space<vmem>> -> memref<40x64xf32, #tpu.memory_space<vmem>>
    %dma_wait3A_180 = arith.constant 0 : i32
    %dma_wait3A_181 = tpu.memref_slice %arg11[%dma_wait3A_175, %dma_wait3A_180] : memref<500x40xi32, #tpu.memory_space<vmem>> -> memref<1x40xi32, #tpu.memory_space<vmem>>
    %dma_wait3A_182 = tpu.memref_squeeze %dma_wait3A_181 : memref<1x40xi32, #tpu.memory_space<vmem>> -> memref<40xi32, #tpu.memory_space<vmem>>
    %dma_wait3A_183 = arith.constant 0 : i32
    %dma_wait3A_184 = arith.constant 0 : i32
    %dma_wait3A_185 = tpu.memref_slice %arg15[%dma_wait3A_183, %dma_wait3A_184] : memref<10240x64xf32, #tpu.memory_space<vmem_shared>> -> memref<10240x64xf32, #tpu.memory_space<vmem_shared>>
    tpu.wait_indirect_dma semaphore(%arg18 : memref<!tpu.dma_semaphore, #tpu.memory_space<semaphore_mem>>) src(%dma_wait3A_179 : memref<40x64xf32, #tpu.memory_space<vmem>>) dst(%dma_wait3A_185 : memref<10240x64xf32, #tpu.memory_space<vmem_shared>>)
    %dma_wait3A_186 = arith.constant 4 : i32
    %dma_wait3A_187 = arith.constant 499 : i32
    %dma_wait3A_188 = arith.constant 0 : i32
    %dma_wait3A_189 = arith.constant 0 : i32
    %dma_wait3A_190 = tpu.memref_slice %arg13[%dma_wait3A_186, %dma_wait3A_188, %dma_wait3A_189] : memref<5x40x64xf32, #tpu.memory_space<vmem>> -> memref<1x40x64xf32, #tpu.memory_space<vmem>>
    %dma_wait3A_191 = tpu.memref_squeeze %dma_wait3A_190 : memref<1x40x64xf32, #tpu.memory_space<vmem>> -> memref<40x64xf32, #tpu.memory_space<vmem>>
    %dma_wait3A_192 = arith.constant 0 : i32
    %dma_wait3A_193 = tpu.memref_slice %arg11[%dma_wait3A_187, %dma_wait3A_192] : memref<500x40xi32, #tpu.memory_space<vmem>> -> memref<1x40xi32, #tpu.memory_space<vmem>>
    %dma_wait3A_194 = tpu.memref_squeeze %dma_wait3A_193 : memref<1x40xi32, #tpu.memory_space<vmem>> -> memref<40xi32, #tpu.memory_space<vmem>>
    %dma_wait3A_195 = arith.constant 0 : i32
    %dma_wait3A_196 = arith.constant 0 : i32
    %dma_wait3A_197 = tpu.memref_slice %arg15[%dma_wait3A_195, %dma_wait3A_196] : memref<10240x64xf32, #tpu.memory_space<vmem_shared>> -> memref<10240x64xf32, #tpu.memory_space<vmem_shared>>
    tpu.wait_indirect_dma semaphore(%arg18 : memref<!tpu.dma_semaphore, #tpu.memory_space<semaphore_mem>>) src(%dma_wait3A_191 : memref<40x64xf32, #tpu.memory_space<vmem>>) dst(%dma_wait3A_197 : memref<10240x64xf32, #tpu.memory_space<vmem_shared>>)
    %scan3A_198 = arith.constant 0 : i32
    %scan3A_199 = arith.constant 0 : i32
    %scan3A_200 = arith.constant 50 : i32
    %scan3A_201 = arith.addi %scan3A_199, %scan3A_200 : i32
    %scan3A_202 = arith.constant 1 : i32
    scf.for %scan3A_209 = %scan3A_199 to %scan3A_201 step %scan3A_202  : i32 {
      %mul3A_210 = arith.constant 5 : i32
      %mul3A_211 = arith.muli %scan3A_209, %mul3A_210 : i32
      %add3A_212 = arith.constant 0 : i32
      %add3A_213 = arith.addi %mul3A_211, %add3A_212 : i32
      %dma_wait3A_214 = arith.constant 0 : i32
      %dma_wait3A_215 = tpu.memref_slice %arg11[%add3A_213, %dma_wait3A_214] : memref<500x40xi32, #tpu.memory_space<vmem>> -> memref<1x40xi32, #tpu.memory_space<vmem>>
      %dma_wait3A_216 = tpu.memref_squeeze %dma_wait3A_215 : memref<1x40xi32, #tpu.memory_space<vmem>> -> memref<40xi32, #tpu.memory_space<vmem>>
      %dma_wait3A_217 = arith.constant 0 : i32
      %dma_wait3A_218 = arith.constant 0 : i32
      %dma_wait3A_219 = tpu.memref_slice %arg16[%dma_wait3A_217, %dma_wait3A_218] : memref<10240x8xf32, #tpu.memory_space<vmem_shared>> -> memref<10240x8xf32, #tpu.memory_space<vmem_shared>>
      tpu.wait_indirect_dma semaphore(%arg19 : memref<!tpu.dma_semaphore, #tpu.memory_space<semaphore_mem>>) src(%arg14 : memref<40x8xf32, #tpu.memory_space<vmem>>) dst(%dma_wait3A_219 : memref<10240x8xf32, #tpu.memory_space<vmem_shared>>)
      %mul3A_220 = arith.constant 5 : i32
      %mul3A_221 = arith.muli %scan3A_209, %mul3A_220 : i32
      %add3A_222 = arith.constant 1 : i32
      %add3A_223 = arith.addi %mul3A_221, %add3A_222 : i32
      %dma_wait3A_224 = arith.constant 0 : i32
      %dma_wait3A_225 = tpu.memref_slice %arg11[%add3A_223, %dma_wait3A_224] : memref<500x40xi32, #tpu.memory_space<vmem>> -> memref<1x40xi32, #tpu.memory_space<vmem>>
      %dma_wait3A_226 = tpu.memref_squeeze %dma_wait3A_225 : memref<1x40xi32, #tpu.memory_space<vmem>> -> memref<40xi32, #tpu.memory_space<vmem>>
      %dma_wait3A_227 = arith.constant 0 : i32
      %dma_wait3A_228 = arith.constant 0 : i32
      %dma_wait3A_229 = tpu.memref_slice %arg16[%dma_wait3A_227, %dma_wait3A_228] : memref<10240x8xf32, #tpu.memory_space<vmem_shared>> -> memref<10240x8xf32, #tpu.memory_space<vmem_shared>>
      tpu.wait_indirect_dma semaphore(%arg19 : memref<!tpu.dma_semaphore, #tpu.memory_space<semaphore_mem>>) src(%arg14 : memref<40x8xf32, #tpu.memory_space<vmem>>) dst(%dma_wait3A_229 : memref<10240x8xf32, #tpu.memory_space<vmem_shared>>)
      %mul3A_230 = arith.constant 5 : i32
      %mul3A_231 = arith.muli %scan3A_209, %mul3A_230 : i32
      %add3A_232 = arith.constant 2 : i32
      %add3A_233 = arith.addi %mul3A_231, %add3A_232 : i32
      %dma_wait3A_234 = arith.constant 0 : i32
      %dma_wait3A_235 = tpu.memref_slice %arg11[%add3A_233, %dma_wait3A_234] : memref<500x40xi32, #tpu.memory_space<vmem>> -> memref<1x40xi32, #tpu.memory_space<vmem>>
      %dma_wait3A_236 = tpu.memref_squeeze %dma_wait3A_235 : memref<1x40xi32, #tpu.memory_space<vmem>> -> memref<40xi32, #tpu.memory_space<vmem>>
      %dma_wait3A_237 = arith.constant 0 : i32
      %dma_wait3A_238 = arith.constant 0 : i32
      %dma_wait3A_239 = tpu.memref_slice %arg16[%dma_wait3A_237, %dma_wait3A_238] : memref<10240x8xf32, #tpu.memory_space<vmem_shared>> -> memref<10240x8xf32, #tpu.memory_space<vmem_shared>>
      tpu.wait_indirect_dma semaphore(%arg19 : memref<!tpu.dma_semaphore, #tpu.memory_space<semaphore_mem>>) src(%arg14 : memref<40x8xf32, #tpu.memory_space<vmem>>) dst(%dma_wait3A_239 : memref<10240x8xf32, #tpu.memory_space<vmem_shared>>)
      %mul3A_240 = arith.constant 5 : i32
      %mul3A_241 = arith.muli %scan3A_209, %mul3A_240 : i32
      %add3A_242 = arith.constant 3 : i32
      %add3A_243 = arith.addi %mul3A_241, %add3A_242 : i32
      %dma_wait3A_244 = arith.constant 0 : i32
      %dma_wait3A_245 = tpu.memref_slice %arg11[%add3A_243, %dma_wait3A_244] : memref<500x40xi32, #tpu.memory_space<vmem>> -> memref<1x40xi32, #tpu.memory_space<vmem>>
      %dma_wait3A_246 = tpu.memref_squeeze %dma_wait3A_245 : memref<1x40xi32, #tpu.memory_space<vmem>> -> memref<40xi32, #tpu.memory_space<vmem>>
      %dma_wait3A_247 = arith.constant 0 : i32
      %dma_wait3A_248 = arith.constant 0 : i32
      %dma_wait3A_249 = tpu.memref_slice %arg16[%dma_wait3A_247, %dma_wait3A_248] : memref<10240x8xf32, #tpu.memory_space<vmem_shared>> -> memref<10240x8xf32, #tpu.memory_space<vmem_shared>>
      tpu.wait_indirect_dma semaphore(%arg19 : memref<!tpu.dma_semaphore, #tpu.memory_space<semaphore_mem>>) src(%arg14 : memref<40x8xf32, #tpu.memory_space<vmem>>) dst(%dma_wait3A_249 : memref<10240x8xf32, #tpu.memory_space<vmem_shared>>)
      %mul3A_250 = arith.constant 5 : i32
      %mul3A_251 = arith.muli %scan3A_209, %mul3A_250 : i32
      %add3A_252 = arith.constant 4 : i32
      %add3A_253 = arith.addi %mul3A_251, %add3A_252 : i32
      %dma_wait3A_254 = arith.constant 0 : i32
      %dma_wait3A_255 = tpu.memref_slice %arg11[%add3A_253, %dma_wait3A_254] : memref<500x40xi32, #tpu.memory_space<vmem>> -> memref<1x40xi32, #tpu.memory_space<vmem>>
      %dma_wait3A_256 = tpu.memref_squeeze %dma_wait3A_255 : memref<1x40xi32, #tpu.memory_space<vmem>> -> memref<40xi32, #tpu.memory_space<vmem>>
      %dma_wait3A_257 = arith.constant 0 : i32
      %dma_wait3A_258 = arith.constant 0 : i32
      %dma_wait3A_259 = tpu.memref_slice %arg16[%dma_wait3A_257, %dma_wait3A_258] : memref<10240x8xf32, #tpu.memory_space<vmem_shared>> -> memref<10240x8xf32, #tpu.memory_space<vmem_shared>>
      tpu.wait_indirect_dma semaphore(%arg19 : memref<!tpu.dma_semaphore, #tpu.memory_space<semaphore_mem>>) src(%arg14 : memref<40x8xf32, #tpu.memory_space<vmem>>) dst(%dma_wait3A_259 : memref<10240x8xf32, #tpu.memory_space<vmem_shared>>)
    }
    %scan3A_203 = arith.constant 50 : i32
    %barrier3A_204 = arith.constant 0 : index
    tpu.barrier barrier_id(%barrier3A_204)
    %mul3A_205 = arith.constant 64 : i32
    %mul3A_206 = arith.muli %arg0, %mul3A_205 : i32
    "tpu.region"() ({
      %run_scoped3A = tpu.sem_alloc : memref<!tpu.dma_semaphore, #tpu.memory_space<semaphore_mem>>
      %dma_start3A_209 = tpu.memref_slice %arg8[%mul3A_0, %mul3A_206] : memref<10240x128xf32, #tpu.memory_space<hbm>> -> memref<640x64xf32, #tpu.memory_space<hbm>>
      %dma_start3A_210 = arith.constant 0 : i32
      %dma_start3A_211 = tpu.memref_slice %arg15[%mul3A_0, %dma_start3A_210] : memref<10240x64xf32, #tpu.memory_space<vmem_shared>> -> memref<640x64xf32, #tpu.memory_space<vmem_shared>>
      tpu.enqueue_dma source(%dma_start3A_211 : memref<640x64xf32, #tpu.memory_space<vmem_shared>>) target(%dma_start3A_209 : memref<640x64xf32, #tpu.memory_space<hbm>>) target_semaphore(%run_scoped3A : memref<!tpu.dma_semaphore, #tpu.memory_space<semaphore_mem>>)
      %dma_wait3A_212 = tpu.memref_slice %arg8[%mul3A_0, %mul3A_206] : memref<10240x128xf32, #tpu.memory_space<hbm>> -> memref<640x64xf32, #tpu.memory_space<hbm>>
      %dma_wait3A_213 = arith.constant 0 : i32
      %dma_wait3A_214 = tpu.memref_slice %arg15[%mul3A_0, %dma_wait3A_213] : memref<10240x64xf32, #tpu.memory_space<vmem_shared>> -> memref<640x64xf32, #tpu.memory_space<vmem_shared>>
      tpu.wait_dma2 semaphore(%run_scoped3A : memref<!tpu.dma_semaphore, #tpu.memory_space<semaphore_mem>>) src(%dma_wait3A_214 : memref<640x64xf32, #tpu.memory_space<vmem_shared>>) dst(%dma_wait3A_212 : memref<640x64xf32, #tpu.memory_space<hbm>>)
      tpu.yield
    }) : () -> ()
    %mul3A_207 = arith.constant 8 : i32
    %mul3A_208 = arith.muli %arg0, %mul3A_207 : i32
    "tpu.region"() ({
      %run_scoped3A = tpu.sem_alloc : memref<!tpu.dma_semaphore, #tpu.memory_space<semaphore_mem>>
      %dma_start3A_209 = tpu.memref_slice %arg9[%mul3A_0, %mul3A_208] : memref<10240x128xf32, #tpu.memory_space<hbm>> -> memref<640x8xf32, #tpu.memory_space<hbm>>
      %dma_start3A_210 = arith.constant 0 : i32
      %dma_start3A_211 = tpu.memref_slice %arg16[%mul3A_0, %dma_start3A_210] : memref<10240x8xf32, #tpu.memory_space<vmem_shared>> -> memref<640x8xf32, #tpu.memory_space<vmem_shared>>
      tpu.enqueue_dma source(%dma_start3A_211 : memref<640x8xf32, #tpu.memory_space<vmem_shared>>) target(%dma_start3A_209 : memref<640x8xf32, #tpu.memory_space<hbm>>) target_semaphore(%run_scoped3A : memref<!tpu.dma_semaphore, #tpu.memory_space<semaphore_mem>>)
      %dma_wait3A_212 = tpu.memref_slice %arg9[%mul3A_0, %mul3A_208] : memref<10240x128xf32, #tpu.memory_space<hbm>> -> memref<640x8xf32, #tpu.memory_space<hbm>>
      %dma_wait3A_213 = arith.constant 0 : i32
      %dma_wait3A_214 = tpu.memref_slice %arg16[%mul3A_0, %dma_wait3A_213] : memref<10240x8xf32, #tpu.memory_space<vmem_shared>> -> memref<640x8xf32, #tpu.memory_space<vmem_shared>>
      tpu.wait_dma2 semaphore(%run_scoped3A : memref<!tpu.dma_semaphore, #tpu.memory_space<semaphore_mem>>) src(%dma_wait3A_214 : memref<640x8xf32, #tpu.memory_space<vmem_shared>>) dst(%dma_wait3A_212 : memref<640x8xf32, #tpu.memory_space<hbm>>)
      tpu.yield
    }) : () -> ()
    return
  }
}

module attributes {stable_mosaic.version = 14 : i64} {
  func.func @body(%arg0: i32, %arg1: memref<1000x128xf32, #tpu.memory_space<vmem>>, %arg2: memref<1000x128xf32, #tpu.memory_space<vmem>>, %arg3: memref<1000x128xf32, #tpu.memory_space<vmem>>, %arg4: memref<128x128xf32, #tpu.memory_space<vmem>>, %arg5: memref<128x128xf32, #tpu.memory_space<vmem>>, %arg6: memref<128x128xf32, #tpu.memory_space<vmem>>, %arg7: memref<1x128xf32, #tpu.memory_space<vmem>>, %arg8: memref<1x128xf32, #tpu.memory_space<vmem>>, %arg9: memref<1000x128xf32, #tpu.memory_space<vmem>>, %arg10: memref<1000x128xf32, #tpu.memory_space<vmem>>) attributes {dimension_semantics = [#tpu.dimension_semantics<arbitrary>], iteration_bounds = array<i64: 10>, scalar_prefetch = 0 : i64, scratch_operands = 0 : i64, tpu.core_type = #tpu.core_type<tc>, window_params = [{transform_indices = @transform_0, window_bounds = array<i64: 1000, 128>}, {transform_indices = @transform_1, window_bounds = array<i64: 1000, 128>}, {transform_indices = @transform_2, window_bounds = array<i64: 1000, 128>}, {pipeline_mode = #tpu.pipeline_mode<synchronous>, transform_indices = @transform_3, window_bounds = array<i64: 128, 128>}, {pipeline_mode = #tpu.pipeline_mode<synchronous>, transform_indices = @transform_4, window_bounds = array<i64: 128, 128>}, {pipeline_mode = #tpu.pipeline_mode<synchronous>, transform_indices = @transform_5, window_bounds = array<i64: 128, 128>}, {pipeline_mode = #tpu.pipeline_mode<synchronous>, transform_indices = @transform_6, window_bounds = array<i64: 1, 128>}, {pipeline_mode = #tpu.pipeline_mode<synchronous>, transform_indices = @transform_7, window_bounds = array<i64: 1, 128>}, {transform_indices = @transform_8, window_bounds = array<i64: 1000, 128>}, {transform_indices = @transform_9, window_bounds = array<i64: 1000, 128>}]} {
    %get3A = arith.constant 0 : index
    %get3A_0 = arith.constant 0 : index
    %get3A_1 = vector.load %arg2[%get3A, %get3A_0] : memref<1000x128xf32, #tpu.memory_space<vmem>>, vector<1000x1xf32>
    %get3A_2 = arith.constant 0 : index
    %get3A_3 = arith.constant 8 : index
    %get3A_4 = vector.load %arg2[%get3A_2, %get3A_3] : memref<1000x128xf32, #tpu.memory_space<vmem>>, vector<1000x1xf32>
    %add3A = arith.addf %get3A_1, %get3A_4 : vector<1000x1xf32>
    %get3A_5 = arith.constant 0 : index
    %get3A_6 = arith.constant 0 : index
    %get3A_7 = vector.load %arg1[%get3A_5, %get3A_6] : memref<1000x128xf32, #tpu.memory_space<vmem>>, vector<1000x128xf32>
    %max3A = arith.constant 1.000000e+00 : f32
    %max3A_8 = vector.broadcast %max3A : f32 to vector<1000x1xf32>
    %max3A_9 = arith.maximumf %add3A, %max3A_8 : vector<1000x1xf32>
    %div3A = vector.broadcast %max3A_9 : vector<1000x1xf32> to vector<1000x128xf32>
    %div3A_10 = arith.divf %get3A_7, %div3A : vector<1000x128xf32>
    %get3A_11 = arith.constant 0 : index
    %get3A_12 = arith.constant 0 : index
    %get3A_13 = vector.load %arg4[%get3A_11, %get3A_12] : memref<128x128xf32, #tpu.memory_space<vmem>>, vector<128x128xf32>
    %dot_general3A = arith.constant dense<0.000000e+00> : vector<1000x128xf32>
    %dot_general3A_14 = tpu.matmul %div3A_10, %get3A_13, %dot_general3A {dimension_numbers = #tpu.dot_dimension_numbers<[1], [0], [0], [1], [0, 0, 1, 1], [], []>, transpose_lhs_hint = false} : vector<1000x128xf32>, vector<128x128xf32>, vector<1000x128xf32> -> vector<1000x128xf32>
    %get3A_15 = arith.constant 0 : index
    %get3A_16 = arith.constant 0 : index
    %get3A_17 = vector.load %arg3[%get3A_15, %get3A_16] : memref<1000x128xf32, #tpu.memory_space<vmem>>, vector<1000x128xf32>
    %get3A_18 = arith.constant 0 : index
    %get3A_19 = arith.constant 0 : index
    %get3A_20 = vector.load %arg5[%get3A_18, %get3A_19] : memref<128x128xf32, #tpu.memory_space<vmem>>, vector<128x128xf32>
    %dot_general3A_21 = arith.constant dense<0.000000e+00> : vector<1000x128xf32>
    %dot_general3A_22 = tpu.matmul %get3A_17, %get3A_20, %dot_general3A_21 {dimension_numbers = #tpu.dot_dimension_numbers<[1], [0], [0], [1], [0, 0, 1, 1], [], []>, transpose_lhs_hint = false} : vector<1000x128xf32>, vector<128x128xf32>, vector<1000x128xf32> -> vector<1000x128xf32>
    %add3A_23 = arith.addf %dot_general3A_14, %dot_general3A_22 : vector<1000x128xf32>
    %get3A_24 = arith.constant 0 : index
    %get3A_25 = arith.constant 0 : index
    %get3A_26 = vector.load %arg7[%get3A_24, %get3A_25] : memref<1x128xf32, #tpu.memory_space<vmem>>, vector<1x128xf32>
    %add3A_27 = vector.broadcast %get3A_26 : vector<1x128xf32> to vector<1000x128xf32>
    %add3A_28 = arith.addf %add3A_23, %add3A_27 : vector<1000x128xf32>
    %get3A_29 = arith.constant 0 : index
    %get3A_30 = arith.constant 0 : index
    %get3A_31 = vector.load %arg6[%get3A_29, %get3A_30] : memref<128x128xf32, #tpu.memory_space<vmem>>, vector<128x128xf32>
    %dot_general3A_32 = arith.constant dense<0.000000e+00> : vector<1000x128xf32>
    %dot_general3A_33 = tpu.matmul %add3A_28, %get3A_31, %dot_general3A_32 {dimension_numbers = #tpu.dot_dimension_numbers<[1], [0], [0], [1], [0, 0, 1, 1], [], []>, transpose_lhs_hint = false} : vector<1000x128xf32>, vector<128x128xf32>, vector<1000x128xf32> -> vector<1000x128xf32>
    %get3A_34 = arith.constant 0 : index
    %get3A_35 = arith.constant 0 : index
    %get3A_36 = vector.load %arg8[%get3A_34, %get3A_35] : memref<1x128xf32, #tpu.memory_space<vmem>>, vector<1x128xf32>
    %add3A_37 = vector.broadcast %get3A_36 : vector<1x128xf32> to vector<1000x128xf32>
    %add3A_38 = arith.addf %dot_general3A_33, %add3A_37 : vector<1000x128xf32>
    %swap3A = arith.constant 0 : index
    %swap3A_39 = arith.constant 0 : index
    %swap3A_40 = vector.load %arg10[%swap3A, %swap3A_39] : memref<1000x128xf32, #tpu.memory_space<vmem>>, vector<1000x128xf32>
    tpu.vector_store %arg10[%swap3A, %swap3A_39], %add3A_28 {strides = array<i32>} : memref<1000x128xf32, #tpu.memory_space<vmem>>, vector<1000x128xf32>,
    %swap3A_41 = arith.constant 0 : index
    %swap3A_42 = arith.constant 0 : index
    %swap3A_43 = vector.load %arg9[%swap3A_41, %swap3A_42] : memref<1000x128xf32, #tpu.memory_space<vmem>>, vector<1000x128xf32>
    tpu.vector_store %arg9[%swap3A_41, %swap3A_42], %add3A_38 {strides = array<i32>} : memref<1000x128xf32, #tpu.memory_space<vmem>>, vector<1000x128xf32>,
    return
  }
  func.func @transform_0(%arg0: i32) -> (i32, i32) {
    %c0_i32 = arith.constant 0 : i32
    %c0_i32_0 = arith.constant 0 : i32
    return %arg0, %c0_i32 : i32, i32
  }
  func.func @transform_1(%arg0: i32) -> (i32, i32) {
    %c0_i32 = arith.constant 0 : i32
    %c0_i32_0 = arith.constant 0 : i32
    return %arg0, %c0_i32 : i32, i32
  }
  func.func @transform_2(%arg0: i32) -> (i32, i32) {
    %c0_i32 = arith.constant 0 : i32
    %c0_i32_0 = arith.constant 0 : i32
    return %arg0, %c0_i32 : i32, i32
  }
  func.func @transform_3(%arg0: i32) -> (i32, i32) {
    %c0_i32 = arith.constant 0 : i32
    %c0_i32_0 = arith.constant 0 : i32
    %c0_i32_1 = arith.constant 0 : i32
    return %c0_i32, %c0_i32_0 : i32, i32
  }
  func.func @transform_4(%arg0: i32) -> (i32, i32) {
    %c0_i32 = arith.constant 0 : i32
    %c0_i32_0 = arith.constant 0 : i32
    %c0_i32_1 = arith.constant 0 : i32
    return %c0_i32, %c0_i32_0 : i32, i32
  }
  func.func @transform_5(%arg0: i32) -> (i32, i32) {
    %c0_i32 = arith.constant 0 : i32
    %c0_i32_0 = arith.constant 0 : i32
    %c0_i32_1 = arith.constant 0 : i32
    return %c0_i32, %c0_i32_0 : i32, i32
  }
  func.func @transform_6(%arg0: i32) -> (i32, i32) {
    %c0_i32 = arith.constant 0 : i32
    %c0_i32_0 = arith.constant 0 : i32
    %c0_i32_1 = arith.constant 0 : i32
    return %c0_i32, %c0_i32_0 : i32, i32
  }
  func.func @transform_7(%arg0: i32) -> (i32, i32) {
    %c0_i32 = arith.constant 0 : i32
    %c0_i32_0 = arith.constant 0 : i32
    %c0_i32_1 = arith.constant 0 : i32
    return %c0_i32, %c0_i32_0 : i32, i32
  }
  func.func @transform_8(%arg0: i32) -> (i32, i32) {
    %c0_i32 = arith.constant 0 : i32
    %c0_i32_0 = arith.constant 0 : i32
    return %arg0, %c0_i32 : i32, i32
  }
  func.func @transform_9(%arg0: i32) -> (i32, i32) {
    %c0_i32 = arith.constant 0 : i32
    %c0_i32_0 = arith.constant 0 : i32
    return %arg0, %c0_i32 : i32, i32
  }
}

</mosaic_0001>

<sc_bundles>
// kernel: kernel.4.cloned.1.call-start
scs
__scs_entry_jumppad:
0x0: {  	(pc) =	sbr.rel $0x88, $3  }
0x1: {  	(tag) =	ssettag $0x0;
	lr =	simm.s32 $0x1  }
0x2: {  	[smem:$0x3F9A] =	sst lr;
	_ =	strace $0xD0000000  }
0x3: {  	_ = 	snop  }
0x4: {  	_ = 	snop  }
0x5: {  	_ = 	snop  }
0x6: {  	_ = 	snop  }
0x7: {  	_ = 	snop  }
__scs_overlays_trampoline_lowered:
0x8: {  	[smem:$0x3FA9] =	sst s0  }
0x9: {  	[smem:$0x3FAA] =	sst s1  }
0xa: {  	[smem:$0x3FAB] =	sst s2  }
0xb: {  	[smem:$0x3FAC] =	sst s3  }
0xc: {  	[smem:$0x3FAD] =	sst s4  }
0xd: {  	[smem:$0x3FAE] =	sst s5  }
0xe: {  	[smem:$0x3FAF] =	sst s6  }
0xf: {  	[smem:$0x3FB0] =	sst s7  }
0x10: {  	[smem:$0x3FB1] =	sst s8  }
0x11: {  	[smem:$0x3FB2] =	sst s9;
	s0 =	simm.s32 @!p0 $0x0  }
0x12: {  	s1 =	sld [smem:$0x3F98];
	s0 =	simm.s32 @p0 $0x1  }
0x13: {  	[smem:$0x3FB3] =	sst s0;
	s0 =	simm.s32 @!p1 $0x0  }
0x14: {  	s2 =	sld [smem:$0x3F97];
	s0 =	simm.s32 @p1 $0x1  }
0x15: {  	[smem:$0x3FB4] =	sst s0;
	s0 =	simm.s32 @!p2 $0x0  }
0x16: {  	s3 =	sld [smem:$0x3FDB];
	s0 =	simm.s32 @p2 $0x1  }
0x17: {  	s4 =	simm.s32 $0x1BF5;
	[smem:$0x3FB6] =	sst s0  }
0x18: {  	s0 =	sld [smem:$0x3F99];
	_ =	swait.ge [sflag:s4], $0x0  }
0x19: {  	s7 =	sld [smem:$0x3F9A]  }
0x1a: {  	s8 =	sadd.s32 $0xFFFFE003, lr  }
0x1b: {  	s9 =	sadd.s32 $0xFFFFFEF7, lr;
	s5 =	simm.s32 $0xFFFFFFFF;
	p2 =	slt.u32 s8, $0xFFFFF086  }
0x1c: {  	p1 =	slt.u32 s9, $0xF7A;
	s5 =	simm.s32 @!p2 $0x0  }
0x1d: {  	s5 =	simm.s32 @p1 $0x1;
	p0 =	seq.s32 s7, s2  }
0x1e: {  	s7 =	smul.u32 @!p0 $0xF7A, s2;
	p2 =	seq.s32 @!p0 s5, $0x0  }
0x1f: {  	s9 =	smul.u32 $0xF7A, s1;
	s8 =	simm.s32 @!p0 $0x1BF5;
	p2 =	por !p2, p0  }
0x20: {  	[sflag:s8] =	ssyncset.s32 @!p0 $0xFFFFF086;
	s6 =	sadd.s32 @!p0 s3, s7;
	s7 =	simm.s32 @!p0 $0x108  }
0x21: {  	s3 =	sadd.s32 s3, s9;
	s6 =	sadd.s32 @!p0 $0x88, s6;
	s7 =	simm.s32 @p2 $0x1082  }
0x22: {  	[simem:s7], [sflag:s8] =	dma.local @!p0 [hbm:s6], $0xF7A  }
0x23: {  	s9 =	sor.u32 $0xD0000000, s2;
	s6 =	simm.s32 $0x108;
	_ =	swait.ge @!p0 [sflag:s8], $0x0  }
0x24: {  	s3 =	sadd.s32 $0x88, s3;
	s6 =	simm.s32 @!p1 $0x1082;
	[sflag:s4] =	ssyncset.s32 $0xFFFFF086  }
0x25: {  	[simem:s6], [sflag:s4] =	dma.local [hbm:s3], $0xF7A  }
0x26: {  	[smem:$0x3F9A] =	sst s1;
	(tag) =	ssettag s2;
	_ =	strace s9  }
0x27: {  	s1 =	sld [smem:$0x3FAA]  }
0x28: {  	s2 =	sld [smem:$0x3FAB]  }
0x29: {  	s4 =	sld [smem:$0x3FAD]  }
0x2a: {  	p0 =	seq.s32 s5, $0x0;
	s5 =	sld [smem:$0x3FAE]  }
0x2b: {  	s6 =	sld [smem:$0x3FAF]  }
0x2c: {  	s7 =	sld [smem:$0x3FB0]  }
0x2d: {  	s3 =	simm.s32 $0x108;
	s8 =	sld [smem:$0x3FB1]  }
0x2e: {  	s3 =	simm.s32 @!p0 $0x1082;
	s9 =	sld [smem:$0x3FB2]  }
0x2f: {  	lr =	sadd.s32 s0, s3;
	s0 =	sld [smem:$0x3FA9]  }
0x30: {  	s3 =	sld [smem:$0x3FAC]  }
0x31: {  	[smem:$0x3FB5] =	sst s10  }
0x32: {  	s10 =	sld [smem:$0x3FB3];
	_ =	sdelay $0x3  }
0x33: {  	p0 =	seq.s32 s10, $0x1;
	s10 =	sld [smem:$0x3FB5];
	_ =	sdelay $0x3  }
0x34: {  	[smem:$0x3FB5] =	sst s10  }
0x35: {  	s10 =	sld [smem:$0x3FB4];
	_ =	sdelay $0x3  }
0x36: {  	p1 =	seq.s32 s10, $0x1;
	s10 =	sld [smem:$0x3FB5];
	_ =	sdelay $0x3  }
0x37: {  	[smem:$0x3FB5] =	sst s10  }
0x38: {  	s10 =	sld [smem:$0x3FB6]  }
0x39: {  	_ = 	snop;
	(pc) =	sbr.ind lr, $3  }
0x3a: {  	_ = 	snop  }
0x3b: {  	_ = 	snop  }
0x3c: {  	p2 =	seq.s32 s10, $0x1;
	s10 =	sld [smem:$0x3FB5]  }
0x3d: {  	_ =	shalt  }
0x3e: {  	_ =	shalt  }
0x3f: {  	_ =	shalt  }
0x40: {  	_ =	shalt  }
0x41: {  	_ =	shalt  }
0x42: {  	_ =	shalt  }
0x43: {  	_ =	shalt  }
0x44: {  	_ =	shalt  }
0x45: {  	_ =	shalt  }
0x46: {  	_ =	shalt  }
0x47: {  	_ =	shalt  }
0x48: {  	_ =	shalt  }
0x49: {  	_ =	shalt  }
0x4a: {  	_ =	shalt  }
0x4b: {  	_ =	shalt  }
0x4c: {  	_ =	shalt  }
0x4d: {  	_ =	shalt  }
0x4e: {  	_ =	shalt  }
0x4f: {  	_ =	shalt  }
0x50: {  	_ =	shalt  }
0x51: {  	_ =	shalt  }
0x52: {  	_ =	shalt  }
0x53: {  	_ =	shalt  }
0x54: {  	_ =	shalt  }
0x55: {  	_ =	shalt  }
0x56: {  	_ =	shalt  }
0x57: {  	_ =	shalt  }
0x58: {  	_ =	shalt  }
0x59: {  	_ =	shalt  }
0x5a: {  	_ =	shalt  }
0x5b: {  	_ =	shalt  }
0x5c: {  	_ =	shalt  }
0x5d: {  	_ =	shalt  }
0x5e: {  	_ =	shalt  }
0x5f: {  	_ =	shalt  }
0x60: {  	_ =	shalt  }
0x61: {  	_ =	shalt  }
0x62: {  	_ =	shalt  }
0x63: {  	_ =	shalt  }
0x64: {  	_ =	shalt  }
0x65: {  	_ =	shalt  }
0x66: {  	_ =	shalt  }
0x67: {  	_ =	shalt  }
0x68: {  	_ =	shalt  }
0x69: {  	_ =	shalt  }
0x6a: {  	_ =	shalt  }
0x6b: {  	_ =	shalt  }
0x6c: {  	_ =	shalt  }
0x6d: {  	_ =	shalt  }
0x6e: {  	_ =	shalt  }
0x6f: {  	_ =	shalt  }
0x70: {  	_ =	shalt  }
0x71: {  	_ =	shalt  }
0x72: {  	_ =	shalt  }
0x73: {  	_ =	shalt  }
0x74: {  	_ =	shalt  }
0x75: {  	_ =	shalt  }
0x76: {  	_ =	shalt  }
0x77: {  	_ =	shalt  }
0x78: {  	_ =	shalt  }
0x79: {  	_ =	shalt  }
0x7a: {  	_ =	shalt  }
0x7b: {  	_ =	shalt  }
0x7c: {  	_ =	shalt  }
0x7d: {  	_ =	shalt  }
0x7e: {  	_ =	shalt  }
0x7f: {  	_ =	shalt  }
0x80: {  	_ =	shalt  }
0x81: {  	_ =	shalt  }
0x82: {  	_ =	shalt  }
0x83: {  	_ =	shalt  }
0x84: {  	_ =	shalt  }
0x85: {  	_ =	shalt  }
0x86: {  	_ =	shalt  }
0x87: {  	_ =	shalt  }
.Lfunc_end0:
.L_simem_size_0:
called_computation_lowered:
.L_overlay_start_0:
0x88: {  	s2 =	sld [smem:$0x3FD9]  }
0x89: {  	s3 =	sld [smem:$0x3FFE];
	_ =	sdelay $0x1  }
0x8a: {  	s1 =	srdreg.scid  }
0x8b: {  	s0 =	sand.u32 $0x1, s1  }
0x8c: {  	s14 =	sshll.u32 s0, $0xA;
	s2 =	sadd.s32 s3, s2  }
0x8d: {  	s2 =	sadd.s32 s2, s14  }
0x8e: {  	[smem:$0x3FC1] =	sst s2  }
0x8f: {  	_ = 	snop  }
0x90: {  	s2 =	sld [smem:$0x3FD0];
	_ =	sdelay $0x2  }
0x91: {  	s4 =	simm.s32 $0xA;
	s5 =	simm.s32 $0x10;
	s15 =	sld [smem:$0x3FC9]  }
0x92: {  	[smem:s5], [sflag:s4] =	dma.local [hbm:s2], $0x1  }
0x93: {  	_ =	swait.eq [sflag:s4], $0x1  }
0x94: {  	[sflag:s4] =	ssyncset.done $0x0  }
0x95: {  	s16 =	sld [smem:$0x10];
	[sflag:s4] =	ssyncadd.s32 $0xFFFFFFFF  }
0x96: {  	s17 =	sld [smem:$0x11];
	(tm) =	ssettm $0x1  }
0x97: {  	s18 =	sld [smem:$0x3FFB];
	_ =	sdelay $0x3  }
0x98: {  	_ =	strace s18  }
0x99: {  	s5 =	sld [smem:$0x3FFC];
	_ =	sdelay $0x3  }
0x9a: {  	_ =	strace s5  }
0x9b: {  	s5 =	sld [smem:$0x3FFD];
	_ =	sdelay $0x3  }
0x9c: {  	_ =	strace s5  }
0x9d: {  	_ =	strace $0x8FFFFFFF  }
0x9e: {  	s19 =	sld [smem:$0x3FDB];
	_ =	sdelay $0x1  }
0x9f: {  	s6 =	simm.s32 $_scs_section_size  }
0xa0: {  	s7 =	simm.s32 $_size__tile_overlayer_lowered;
	s8 =	simm.s32 $_tile_overlayer_lowered  }
0xa1: {  	s22 =	simm.s32 $0x1BFF;
	s21 =	sshll.u32 s8, $0x1;
	s5 =	sadd.s32 s6, s19  }
0xa2: {  	s9 =	simm.s32 $0x0;
	s20 =	sshll.u32 s7, $0x1;
	s7 =	sadd.s32 s21, s5  }
0xa3: {  	[timem:s9], [sflag:s22] =	dma.local [hbm:s7], s20  }
0xa4: {  	_ =	swait.ge [sflag:s22], s20  }
0xa5: {  	s6 =	ssub.s32 $0x0, s20;
	[sflag:s22] =	ssyncset.done $0x0  }
0xa6: {  	[sflag:s22] =	ssyncadd.s32 s6;
	_ =	sdelay $0x1  }
0xa7: {  	s23 =	simm.s32 $0x1B8B  }
0xa8: {  	_ =	swait.ge [sflag:s23], $0x1  }
0xa9: {  	[sflag:s23] =	ssyncset.done $0x0  }
0xaa: {  	s25 =	simm.s32 $0x1B8E;
	s24 =	sld [smem:$0x3FFE];
	[sflag:s23] =	ssyncadd.s32 $0xFFFFFFFF  }
0xab: {  	s26 =	simm.s32 $execute0_lowered;
	[smem:$0x3FD2] =	sst s25  }
0xac: {  	s7 =	sshll.u32 s26, $0x1;
	_ =	strace $0x80000046;
	[dreg:$0x1] =	wrdreg $0xFFFFFFFF  }
0xad: {  	s28 =	simm.s32 $_size_execute0_lowered;
	s5 =	sadd.s32 s5, s7;
	[dreg:$0x0] =	wrdreg $0x0  }
0xae: {  	s7 =	sshll.u32 s28, $0x1;
	[dreg:$0x2] =	wrdreg s5  }
0xaf: {  	[dreg:$0x3] =	wrdreg s7  }
0xb0: {  	[dreg:$0x4] =	wrdreg $0xC0  }
0xb1: {  	_ =	task [dreg:s9], $0x5FFFF  }
0xb2: {  	[dreg:$0x1] =	wrdreg $0xFFFFFFFF  }
0xb3: {  	[dreg:$0x0] =	wrdreg $0x60  }
0xb4: {  	[dreg:$0x2] =	wrdreg s15  }
0xb5: {  	[dreg:$0x3] =	wrdreg s24  }
0xb6: {  	[dreg:$0x4] =	wrdreg s16  }
0xb7: {  	[dreg:$0x5] =	wrdreg s17  }
0xb8: {  	[dreg:$0x6] =	wrdreg $0x101800  }
0xb9: {  	[dreg:$0x7] =	wrdreg $0x1A1800  }
0xba: {  	[dreg:$0x8] =	wrdreg $0x9  }
0xbb: {  	_ =	task.clear_ibuf [dreg:s9], $0x9FFFF;
	_ =	strace $0x90000046  }
0xbc: {  	s29 =	simm.s32 $0x9;
	_ =	strace $0x80000048  }
0xbd: {  	_ =	swait.ge [sflag:s29], $0x1  }
0xbe: {  	[sflag:s29] =	ssyncadd.s32 $0xFFFFFFFF  }
0xbf: {  	_ =	strace $0x90000048  }
0xc0: {  	_ =	sfence  }
0xc1: {  	s30 =	sld [smem:$0x0];
	_ =	sdelay $0x2  }
0xc2: {  	s31 =	sshll.u32 s1, $0xD;
	s1 =	sshrl.u32 s1, $0x2  }
0xc3: {  	s3 =	sand.u32 $0x4000, s31;
	s1 =	sadd.s32 s1, s30  }
0xc4: {  	s0 =	sor.u32 s3, s0;
	s1 =	sshll.u32 s1, $0x11  }
0xc5: {  	s0 =	sor.u32 s1, s0  }
0xc6: {  	s0 =	sadd.s32 $0x8F2B, s0  }
0xc7: {  	[sflag:s0] =	ssyncadd.remote.s32 $0x1  }
0xc8: {  	_ =	sfence.sel $0xFFFF  }
0xc9: {  	[dreg:$0x0] =	wrdreg $0xFFFFFFFF;
	(pc) =	sbr.abs _section_cstart, $3  }
0xca: {  	[dreg:$0x1] =	wrdreg $0xFFFFFFFF  }
0xcb: {  	_ =	task.clear_ibuf [dreg:s9], $0x2FFFF;
	_ =	strace $0x9FFFFFFF  }
0xcc: {  	(tm) =	ssettm $0x7FFFFFFF  }
0xcd: {  	_ =	shalt  }
tec
execute0_lowered:
.L_overlay_start_1:
0x0: {  	(tag) =	ssettag $0x1  }
0x1: {  	s0 =	rddreg [dreg:$0x0]  }
0x2: {  	s1 =	rddreg [dreg:$0x1]  }
0x3: {  	s4 =	rddreg [dreg:$0x2]  }
0x4: {  	s5 =	rddreg [dreg:$0x3]  }
0x5: {  	s2 =	rddreg [dreg:$0x4]  }
0x6: {  	s3 =	rddreg [dreg:$0x5];
	s6 =	simm.s32 $0x0;
	s17 =	stileid.u32  }
0x7: {  	s7 =	srdreg.scid;
	s29 =	simm.s32 $0xC440;
	s26 =	smul.u32 $0x1400, s17  }
0x8: {  	s30 =	simm.s32 $0xCE40;
	s31 =	simm.s32 $0xD840;
	s8 =	smul.u32 $0x9C4, s17  }
0x9: {  	[smem:$0x7FF] =	sst s6;
	s10 =	sand.u32 $0x1, s7;
	s11 =	smul.u32 $0x14000, s17  }
0xa: {  	s13 =	sadd.s32 $0xB400, s1;
	s15 =	smul.u32 $0xA000, s17;
	s19 =	sshll.u32 s17, $0x6  }
0xb: {  	_ =	strace $0x80000047;
	s7 =	sshll.u32 s10, $0x6;
	[dreg:$0x7] =	wrdreg s13  }
0xc: {  	s28 =	ssub.s32 $0x2, s10;
	s24 =	sshll.u32 s10, $0x3;
	p0 =	seq.s32 s10, $0x0  }
0xd: {  	s9 =	sshrl.u32 s26, $0x3;
	s12 =	sadd.s32 s8, s1;
	s7 =	sor.u32 s7, s11  }
0xe: {  	s14 =	sshrl.u32 s28, $0x1;
	s18 =	sshrl.u32 s15, $0x3;
	s20 =	sadd.s32 s26, s3  }
0xf: {  	s23 =	sshrl.u32 s11, $0x3;
	s4 =	sadd.s32 s4, s8;
	s11 =	sadd.s32 s0, s24  }
0x10: {  	s8 =	simm.s32 $0x4;
	s24 =	simm.s32 $0xB040;
	s0 =	simm.s32 $0xE240  }
0x11: {  	s9 =	sadd.s32 s9, s1;
	s7 =	sshrl.u32 s7, $0x3;
	s13 =	ssub.s32 s28, s14  }
0x12: {  	s14 =	sadd.s32 s15, s2;
	s5 =	sadd.s32 s5, s18;
	s22 =	sadd.s32 $0x1600, s12  }
0x13: {  	[dreg:$0xc] =	wrdreg s4;
	s18 =	simm.s32 $0xF640;
	s16 =	sadd.s32 s7, s1  }
0x14: {  	s1 =	sadd.s32 s10, s1;
	[dreg:$0x8] =	wrdreg s5;
	s7 =	sor.u32 $0x1C04, s19  }
0x15: {  	s21 =	sadd.s32 $0xB600, s9;
	[dreg:$0xb] =	wrdreg s22;
	s28 =	smax.u32 s13, $0x1  }
0x16: {  	s6 =	sshrl.u32 s14, $0x3;
	s5 =	sshrl.u32 s20, $0x3;
	[dreg:$0xa] =	wrdreg s21  }
0x17: {  	s20 =	simm.s32 $0x28;
	s22 =	simm.s32 $0xA640;
	[dreg:$0xf] =	wrdreg s28  }
0x18: {  	s19 =	simm.s32 $0x1;
	s9 =	simm.s32 $0x0;
	[dreg:$0x9] =	wrdreg s7  }
0x19: {  	s1 =	sadd.s32 s23, s1;
	s25 =	sadd.s32 $0xDE00, s16;
	[dreg:$0x10] =	wrdreg s6  }
0x1a: {  	s21 =	simm.s32 $0x9C40;
	s23 =	simm.s32 $0x2;
	[dreg:$0x11] =	wrdreg s5  }
0x1b: {  	[dreg:$0xd] =	wrdreg s25;
	s26 =	sadd.s32 $0x35E00, s1;
	s1 =	simm.s32 $0xEC40  }
0x1c: {  	s25 =	simm.s32 $0x3;
	[dreg:$0xe] =	wrdreg s26;
	s26 =	simm.s32 $0xBA40  }
.LBB2_1:
0x1d: {  	[dreg:$0x12] =	wrdreg s9  }
0x1e: {  	s4 =	rddreg [dreg:$0x8]  }
0x1f: {  	[spmem:s6], [sflag:s7] =	dma.local [hbm:s4], $0x1400  }
0x20: {  	_ =	swait.ge [sflag:s8], $0x1400  }
0x21: {  	[sflag:s8] =	ssyncset.done $0x0  }
0x22: {  	s13 =	rddreg [dreg:$0xa];
	[sflag:s8] =	ssyncadd.s32 $0xFFFFEC00  }
0x23: {  	[spmem:s5], [sflag:s7] =	dma.local [hbm:s13], $0x280  }
0x24: {  	_ =	swait.ge [sflag:s8], $0x280  }
0x25: {  	[sflag:s8] =	ssyncset.done $0x0  }
0x26: {  	s14 =	simm.s32 $0x0;
	s15 =	rddreg [dreg:$0xb];
	[sflag:s8] =	ssyncadd.s32 $0xFFFFFD80  }
0x27: {  	[tilespmem:s14], [sflag:$0x4] =	stream.linear.gather [hbm4b:s15+s14], $0x4E20, $0x38;
	[tilespmem:$0x1B580] =	vst v63  }
0x28: {  	_ =	swait.ge [sflag:s8], $0x4E20  }
0x29: {  	[sflag:s8] =	ssyncset.done $0x0  }
0x2a: {  	s17 =	simm.s32 $0x4E20;
	s16 =	rddreg [dreg:$0xc];
	[sflag:s8] =	ssyncadd.s32 $0xFFFFB1E0  }
0x2b: {  	[tilespmem:s17], [sflag:$0x4] =	stream.linear.gather [hbm4b:s16+s14], $0x4E20, $0x38;
	[tilespmem:$0x1B580] =	vst v63  }
0x2c: {  	_ =	swait.ge [sflag:s8], $0x4E20  }
0x2d: {  	[sflag:s8] =	ssyncset.done $0x0  }
0x2e: {  	s7 =	simm.s32 $0x10040;
	s6 =	rddreg [dreg:$0x7];
	[sflag:s8] =	ssyncadd.s32 $0xFFFFB1E0  }
0x2f: {  	[tilespmem:s7], [sflag:$0x4] =	stream.linear.gather [hbm4b:s6+s14], $0x140, $0x38;
	[tilespmem:$0x1B580] =	vst v63  }
0x30: {  	_ =	swait.ge [sflag:s8], $0x140  }
0x31: {  	[sflag:s8] =	ssyncset.done $0x0  }
0x32: {  	[sflag:s8] =	ssyncadd.s32 $0xFFFFFEC0  }
0x33: {  	[bflag:$0x0] =	sbarrier.arrive $0xFFFF  }
0x34: {  	[tilespmem:s21], [sflag:$0x1] =	stream.indirect.gather [hbm4b:s11+s20], $0x40, s14, s20, $0xb8;
	[tilespmem:$0x1B580] =	vst v63  }
0x35: {  	_ = 	snop  }
0x36: {  	[tilespmem:s22], [sflag:$0x1] =	stream.indirect.gather [hbm4b:s11+s20], $0x40, s20, s20, $0xb8;
	[tilespmem:$0x1B580] =	vst v63  }
0x37: {  	s9 =	simm.s32 $0x50  }
0x38: {  	[tilespmem:s24], [sflag:$0x1] =	stream.indirect.gather [hbm4b:s11+s20], $0x40, s9, s20, $0xb8;
	[tilespmem:$0x1B580] =	vst v63  }
0x39: {  	s10 =	simm.s32 $0x78;
	p1 =	por $0x1, $0x1  }
0x3a: {  	[tilespmem:s26], [sflag:$0x1] =	stream.indirect.gather [hbm4b:s11+s20], $0x40, s10, s20, $0xb8;
	[tilespmem:$0x1B580] =	vst v63  }
0x3b: {  	s12 =	simm.s32 $0xA0;
	s4 =	simm.s32 @!p1 $0x2  }
0x3c: {  	[tilespmem:s29], [sflag:$0x1] =	stream.indirect.gather [hbm4b:s11+s20], $0x40, s12, s20, $0xb8;
	[tilespmem:$0x1B580] =	vst v63  }
0x3d: {  	_ =	swait.ge @!p1 [sflag:s4], $0xA00  }
0x3e: {  	[sflag:s4] =	ssyncset.done @!p1 $0x0  }
0x3f: {  	[sflag:s4] =	ssyncadd.s32 @!p1 $0xFFFFF600  }
0x40: {  	_ =	swait.ge @!p1 [sflag:s4], $0xA00  }
0x41: {  	[sflag:s4] =	ssyncset.done @!p1 $0x0  }
0x42: {  	[sflag:s4] =	ssyncadd.s32 @!p1 $0xFFFFF600  }
0x43: {  	_ =	swait.ge @!p1 [sflag:s4], $0xA00  }
0x44: {  	[sflag:s4] =	ssyncset.done @!p1 $0x0  }
0x45: {  	[sflag:s4] =	ssyncadd.s32 @!p1 $0xFFFFF600  }
0x46: {  	_ =	swait.ge @!p1 [sflag:s4], $0xA00  }
0x47: {  	[sflag:s4] =	ssyncset.done @!p1 $0x0  }
0x48: {  	[sflag:s4] =	ssyncadd.s32 @!p1 $0xFFFFF600  }
0x49: {  	_ =	swait.ge @!p1 [sflag:s4], $0xA00  }
0x4a: {  	[sflag:s4] =	ssyncset.done @!p1 $0x0  }
0x4b: {  	s13 =	simm.s32 $0xC8;
	[sflag:s4] =	ssyncadd.s32 @!p1 $0xFFFFF600  }
0x4c: {  	[tilespmem:s30], [sflag:$0x1] =	stream.indirect.gather [hbm4b:s11+s20], $0x40, s13, s20, $0xb8;
	[tilespmem:$0x1B580] =	vst v63  }
0x4d: {  	s14 =	simm.s32 $0xF0  }
0x4e: {  	[tilespmem:s31], [sflag:$0x1] =	stream.indirect.gather [hbm4b:s11+s20], $0x40, s14, s20, $0xb8;
	[tilespmem:$0x1B580] =	vst v63  }
0x4f: {  	s15 =	simm.s32 $0x118  }
0x50: {  	[tilespmem:s0], [sflag:$0x1] =	stream.indirect.gather [hbm4b:s11+s20], $0x40, s15, s20, $0xb8;
	[tilespmem:$0x1B580] =	vst v63  }
0x51: {  	s16 =	simm.s32 $0x140  }
0x52: {  	[tilespmem:s1], [sflag:$0x1] =	stream.indirect.gather [hbm4b:s11+s20], $0x40, s16, s20, $0xb8;
	[tilespmem:$0x1B580] =	vst v63  }
0x53: {  	s17 =	simm.s32 $0x168  }
0x54: {  	[tilespmem:s18], [sflag:$0x1] =	stream.indirect.gather [hbm4b:s11+s20], $0x40, s17, s20, $0xb8;
	[tilespmem:$0x1B580] =	vst v63  }
0x55: {  	_ =	swait.ge [sflag:s19], $0xA00  }
0x56: {  	[sflag:s19] =	ssyncset.done $0x0  }
0x57: {  	[sflag:s19] =	ssyncadd.s32 $0xFFFFF600  }
0x58: {  	_ =	swait.ge [sflag:s19], $0xA00  }
0x59: {  	[sflag:s19] =	ssyncset.done $0x0  }
0x5a: {  	[sflag:s19] =	ssyncadd.s32 $0xFFFFF600  }
0x5b: {  	_ =	swait.ge [sflag:s19], $0xA00  }
0x5c: {  	[sflag:s19] =	ssyncset.done $0x0  }
0x5d: {  	[sflag:s19] =	ssyncadd.s32 $0xFFFFF600  }
0x5e: {  	_ =	swait.ge [sflag:s19], $0xA00  }
0x5f: {  	[sflag:s19] =	ssyncset.done $0x0  }
0x60: {  	[sflag:s19] =	ssyncadd.s32 $0xFFFFF600  }
0x61: {  	_ =	swait.ge [sflag:s19], $0xA00  }
0x62: {  	[sflag:s19] =	ssyncset.done $0x0  }
0x63: {  	s4 =	simm.s32 $0x4E20;
	[sflag:s19] =	ssyncadd.s32 $0xFFFFF600  }
0x64: {  	[spmem:s2] =	stream.indirect.scatter.add.f32 [tilespmem:s21], [sflag:$0x2], $0x40, s4, s20, $0xb8;
	[tilespmem:$0x1B580] =	vst v63  }
0x65: {  	s6 =	simm.s32 $0x1;
	s8 =	simm.s32 $0x4E48  }
0x66: {  	[spmem:s2] =	stream.indirect.scatter.add.f32 [tilespmem:s22], [sflag:$0x2], $0x40, s8, s20, $0xb8;
	[tilespmem:$0x1B580] =	vst v63  }
0x67: {  	s9 =	simm.s32 $0x4E70;
	s10 =	simm.s32 $0x1;
	p1 =	por $0x0, $0x0  }
0x68: {  	[spmem:s2] =	stream.indirect.scatter.add.f32 [tilespmem:s24], [sflag:$0x2], $0x40, s9, s20, $0xb8;
	[tilespmem:$0x1B580] =	vst v63  }
0x69: {  	s6 =	simm.s32 @!p0 $0x0;
	s12 =	simm.s32 $0x4E98;
	s10 =	simm.s32 @!p1 $0x0  }
0x6a: {  	[spmem:s2] =	stream.indirect.scatter.add.f32 [tilespmem:s26], [sflag:$0x2], $0x40, s12, s20, $0xb8;
	[tilespmem:$0x1B580] =	vst v63  }
0x6b: {  	s13 =	simm.s32 $0x4EC0;
	p3 =	seq.s32 s6, s10  }
0x6c: {  	[spmem:s2] =	stream.indirect.scatter.add.f32 [tilespmem:s29], [sflag:$0x2], $0x40, s13, s20, $0xb8;
	[tilespmem:$0x1B580] =	vst v63  }
0x6d: {  	s10 =	simm.s32 @!p3 $0x28;
	s14 =	simm.s32 @!p3 $0x10040  }
0x6e: {  	[spmem:s3] =	stream.indirect.scatter.add.f32 @!p3 [tilespmem:s14], [sflag:$0x3], $0x8, s4, s10, $0xb8;
	[tilespmem:$0x1B580] =	vst v63  }
0x6f: {  	_ = 	snop  }
0x70: {  	[spmem:s3] =	stream.indirect.scatter.add.f32 @!p3 [tilespmem:s14], [sflag:$0x3], $0x8, s8, s10, $0xb8;
	[tilespmem:$0x1B580] =	vst v63  }
0x71: {  	_ = 	snop  }
0x72: {  	[spmem:s3] =	stream.indirect.scatter.add.f32 @!p3 [tilespmem:s14], [sflag:$0x3], $0x8, s9, s10, $0xb8;
	[tilespmem:$0x1B580] =	vst v63  }
0x73: {  	p2 =	por $0x0, $0x0  }
0x74: {  	[spmem:s3] =	stream.indirect.scatter.add.f32 @!p3 [tilespmem:s14], [sflag:$0x3], $0x8, s12, s10, $0xb8;
	[tilespmem:$0x1B580] =	vst v63  }
0x75: {  	s4 =	simm.s32 @!p2 $0x2  }
0x76: {  	[spmem:s3] =	stream.indirect.scatter.add.f32 @!p3 [tilespmem:s14], [sflag:$0x3], $0x8, s13, s10, $0xb8;
	[tilespmem:$0x1B580] =	vst v63  }
0x77: {  	_ =	swait.ge @!p2 [sflag:s4], $0xA00  }
0x78: {  	[sflag:s4] =	ssyncset.done @!p2 $0x0  }
0x79: {  	[sflag:s4] =	ssyncadd.s32 @!p2 $0xFFFFF600  }
0x7a: {  	_ =	swait.ge @!p2 [sflag:s4], $0xA00  }
0x7b: {  	[sflag:s4] =	ssyncset.done @!p2 $0x0  }
0x7c: {  	[sflag:s4] =	ssyncadd.s32 @!p2 $0xFFFFF600  }
0x7d: {  	_ =	swait.ge @!p2 [sflag:s4], $0xA00  }
0x7e: {  	[sflag:s4] =	ssyncset.done @!p2 $0x0  }
0x7f: {  	[sflag:s4] =	ssyncadd.s32 @!p2 $0xFFFFF600  }
0x80: {  	_ =	swait.ge @!p2 [sflag:s4], $0xA00  }
0x81: {  	[sflag:s4] =	ssyncset.done @!p2 $0x0  }
0x82: {  	[sflag:s4] =	ssyncadd.s32 @!p2 $0xFFFFF600  }
0x83: {  	_ =	swait.ge @!p2 [sflag:s4], $0xA00  }
0x84: {  	s8 =	simm.s32 @!p2 $0x190;
	[sflag:s4] =	ssyncset.done @!p2 $0x0  }
0x85: {  	s9 =	simm.s32 @!p2 $0x28;
	s10 =	simm.s32 @!p2 $0x9C40;
	[sflag:s4] =	ssyncadd.s32 @!p2 $0xFFFFF600  }
0x86: {  	[tilespmem:s10], [sflag:$0x1] =	stream.indirect.gather @!p2 [hbm4b:s11+s9], $0x40, s8, s9, $0xb8;
	[tilespmem:$0x1B580] =	vst v63  }
0x87: {  	s4 =	simm.s32 @!p2 $0x1B8;
	s8 =	simm.s32 @!p2 $0xA640  }
0x88: {  	[tilespmem:s8], [sflag:$0x1] =	stream.indirect.gather @!p2 [hbm4b:s11+s9], $0x40, s4, s9, $0xb8;
	[tilespmem:$0x1B580] =	vst v63  }
0x89: {  	s4 =	simm.s32 @!p2 $0x1E0;
	s8 =	simm.s32 @!p2 $0xB040  }
0x8a: {  	[tilespmem:s8], [sflag:$0x1] =	stream.indirect.gather @!p2 [hbm4b:s11+s9], $0x40, s4, s9, $0xb8;
	[tilespmem:$0x1B580] =	vst v63  }
0x8b: {  	s4 =	simm.s32 @!p2 $0x208;
	s8 =	simm.s32 @!p2 $0xBA40  }
0x8c: {  	[tilespmem:s8], [sflag:$0x1] =	stream.indirect.gather @!p2 [hbm4b:s11+s9], $0x40, s4, s9, $0xb8;
	[tilespmem:$0x1B580] =	vst v63  }
0x8d: {  	s4 =	simm.s32 @!p2 $0x230;
	s8 =	simm.s32 @!p2 $0xC440  }
0x8e: {  	[tilespmem:s8], [sflag:$0x1] =	stream.indirect.gather @!p2 [hbm4b:s11+s9], $0x40, s4, s9, $0xb8;
	[tilespmem:$0x1B580] =	vst v63  }
0x8f: {  	_ =	swait.ge [sflag:s19], $0xA00  }
0x90: {  	[sflag:s19] =	ssyncset.done $0x0  }
0x91: {  	[sflag:s19] =	ssyncadd.s32 $0xFFFFF600  }
0x92: {  	_ =	swait.ge [sflag:s19], $0xA00  }
0x93: {  	[sflag:s19] =	ssyncset.done $0x0  }
0x94: {  	[sflag:s19] =	ssyncadd.s32 $0xFFFFF600  }
0x95: {  	_ =	swait.ge [sflag:s19], $0xA00  }
0x96: {  	[sflag:s19] =	ssyncset.done $0x0  }
0x97: {  	[sflag:s19] =	ssyncadd.s32 $0xFFFFF600  }
0x98: {  	_ =	swait.ge [sflag:s19], $0xA00  }
0x99: {  	[sflag:s19] =	ssyncset.done $0x0  }
0x9a: {  	[sflag:s19] =	ssyncadd.s32 $0xFFFFF600  }
0x9b: {  	_ =	swait.ge [sflag:s19], $0xA00  }
0x9c: {  	[sflag:s19] =	ssyncset.done $0x0  }
0x9d: {  	s8 =	simm.s32 $0x4EE8;
	[sflag:s19] =	ssyncadd.s32 $0xFFFFF600  }
0x9e: {  	[spmem:s2] =	stream.indirect.scatter.add.f32 [tilespmem:s30], [sflag:$0x2], $0x40, s8, s20, $0xb8;
	[tilespmem:$0x1B580] =	vst v63  }
0x9f: {  	s14 =	simm.s32 $0x4F10  }
0xa0: {  	[spmem:s2] =	stream.indirect.scatter.add.f32 [tilespmem:s31], [sflag:$0x2], $0x40, s14, s20, $0xb8;
	[tilespmem:$0x1B580] =	vst v63  }
0xa1: {  	s28 =	simm.s32 $0x4F38  }
0xa2: {  	[spmem:s2] =	stream.indirect.scatter.add.f32 [tilespmem:s0], [sflag:$0x2], $0x40, s28, s20, $0xb8;
	[tilespmem:$0x1B580] =	vst v63  }
0xa3: {  	p3 =	por !p1, !p1;
	s4 =	simm.s32 $0x4F60  }
0xa4: {  	[spmem:s2] =	stream.indirect.scatter.add.f32 [tilespmem:s1], [sflag:$0x2], $0x40, s4, s20, $0xb8;
	[tilespmem:$0x1B580] =	vst v63  }
0xa5: {  	s12 =	simm.s32 $0x4F88;
	p3 =	por @!p0 p1, p1  }
0xa6: {  	[spmem:s2] =	stream.indirect.scatter.add.f32 [tilespmem:s18], [sflag:$0x2], $0x40, s12, s20, $0xb8;
	[tilespmem:$0x1B580] =	vst v63  }
0xa7: {  	s15 =	simm.s32 @p3 $0x28;
	s17 =	simm.s32 @p3 $0x10040  }
0xa8: {  	[spmem:s3] =	stream.indirect.scatter.add.f32 @p3 [tilespmem:s17], [sflag:$0x3], $0x8, s8, s15, $0xb8;
	[tilespmem:$0x1B580] =	vst v63  }
0xa9: {  	s10 =	simm.s32 $0xC80;
	s9 =	simm.s32 $0x0;
	s8 =	simm.s32 $0x640  }
.LBB2_2:
0xaa: {  	s9 =	sadd.s32 $0x1, s9;
	s13 =	smov.u32 s10;
	s10 =	sadd.s32 $0x640, s10  }
0xab: {  	[spmem:s3] =	stream.indirect.scatter.add.f32 @p3 [tilespmem:s17], [sflag:$0x3], $0x8, s14, s15, $0xb8;
	[tilespmem:$0x1B580] =	vst v63  }
0xac: {  	p1 =	sne.s32 s10, $0x13880  }
0xad: {  	[spmem:s3] =	stream.indirect.scatter.add.f32 @p3 [tilespmem:s17], [sflag:$0x3], $0x8, s28, s15, $0xb8;
	[tilespmem:$0x1B580] =	vst v63  }
0xae: {  	p2 =	seq.s32 s8, $0x0  }
0xaf: {  	[spmem:s3] =	stream.indirect.scatter.add.f32 @p3 [tilespmem:s17], [sflag:$0x3], $0x8, s4, s15, $0xb8;
	[tilespmem:$0x1B580] =	vst v63  }
0xb0: {  	s4 =	simm.s32 @!p2 $0x2  }
0xb1: {  	[spmem:s3] =	stream.indirect.scatter.add.f32 @p3 [tilespmem:s17], [sflag:$0x3], $0x8, s12, s15, $0xb8;
	[tilespmem:$0x1B580] =	vst v63  }
0xb2: {  	_ =	swait.ge @!p2 [sflag:s4], $0xA00  }
0xb3: {  	[sflag:s4] =	ssyncset.done @!p2 $0x0  }
0xb4: {  	[sflag:s4] =	ssyncadd.s32 @!p2 $0xFFFFF600  }
0xb5: {  	_ =	swait.ge @!p2 [sflag:s4], $0xA00  }
0xb6: {  	[sflag:s4] =	ssyncset.done @!p2 $0x0  }
0xb7: {  	[sflag:s4] =	ssyncadd.s32 @!p2 $0xFFFFF600  }
0xb8: {  	_ =	swait.ge @!p2 [sflag:s4], $0xA00  }
0xb9: {  	s12 =	sshra.s32 s8, $0x2;
	[sflag:s4] =	ssyncset.done @!p2 $0x0  }
0xba: {  	s14 =	sadd.s32 $0xC8, s12;
	[sflag:s4] =	ssyncadd.s32 @!p2 $0xFFFFF600  }
0xbb: {  	_ =	swait.ge @!p2 [sflag:s4], $0xA00  }
0xbc: {  	[sflag:s4] =	ssyncset.done @!p2 $0x0  }
0xbd: {  	[sflag:s4] =	ssyncadd.s32 @!p2 $0xFFFFF600  }
0xbe: {  	s15 =	sadd.s32 $0xF0, s12;
	_ =	swait.ge @!p2 [sflag:s4], $0xA00  }
0xbf: {  	[sflag:s4] =	ssyncset.done @!p2 $0x0  }
0xc0: {  	[sflag:s4] =	ssyncadd.s32 @!p2 $0xFFFFF600  }
0xc1: {  	[tilespmem:s30], [sflag:$0x1] =	stream.indirect.gather [hbm4b:s11+s20], $0x40, s14, s20, $0xb8;
	[tilespmem:$0x1B580] =	vst v63  }
0xc2: {  	_ = 	snop  }
0xc3: {  	s4 =	sadd.s32 $0x118, s12  }
0xc4: {  	[tilespmem:s31], [sflag:$0x1] =	stream.indirect.gather [hbm4b:s11+s20], $0x40, s15, s20, $0xb8;
	[tilespmem:$0x1B580] =	vst v63  }
0xc5: {  	s14 =	sadd.s32 $0x140, s12  }
0xc6: {  	[tilespmem:s0], [sflag:$0x1] =	stream.indirect.gather [hbm4b:s11+s20], $0x40, s4, s20, $0xb8;
	[tilespmem:$0x1B580] =	vst v63  }
0xc7: {  	s4 =	sadd.s32 $0x168, s12  }
0xc8: {  	[tilespmem:s1], [sflag:$0x1] =	stream.indirect.gather [hbm4b:s11+s20], $0x40, s14, s20, $0xb8;
	[tilespmem:$0x1B580] =	vst v63  }
0xc9: {  	_ = 	snop  }
0xca: {  	[tilespmem:s18], [sflag:$0x1] =	stream.indirect.gather [hbm4b:s11+s20], $0x40, s4, s20, $0xb8;
	[tilespmem:$0x1B580] =	vst v63  }
0xcb: {  	_ =	swait.ge [sflag:s19], $0xA00  }
0xcc: {  	[sflag:s19] =	ssyncset.done $0x0  }
0xcd: {  	[sflag:s19] =	ssyncadd.s32 $0xFFFFF600  }
0xce: {  	_ =	swait.ge [sflag:s19], $0xA00  }
0xcf: {  	[sflag:s19] =	ssyncset.done $0x0  }
0xd0: {  	[sflag:s19] =	ssyncadd.s32 $0xFFFFF600  }
0xd1: {  	_ =	swait.ge [sflag:s19], $0xA00  }
0xd2: {  	s4 =	sadd.s32 $0x4E20, s12;
	[sflag:s19] =	ssyncset.done $0x0  }
0xd3: {  	[sflag:s19] =	ssyncadd.s32 $0xFFFFF600  }
0xd4: {  	_ =	swait.ge [sflag:s19], $0xA00  }
0xd5: {  	[sflag:s19] =	ssyncset.done $0x0  }
0xd6: {  	s14 =	sadd.s32 $0x4E48, s12;
	[sflag:s19] =	ssyncadd.s32 $0xFFFFF600  }
0xd7: {  	_ =	swait.ge [sflag:s19], $0xA00  }
0xd8: {  	[sflag:s19] =	ssyncset.done $0x0  }
0xd9: {  	[sflag:s19] =	ssyncadd.s32 $0xFFFFF600  }
0xda: {  	[spmem:s2] =	stream.indirect.scatter.add.f32 [tilespmem:s21], [sflag:$0x2], $0x40, s4, s20, $0xb8;
	[tilespmem:$0x1B580] =	vst v63  }
0xdb: {  	s15 =	sadd.s32 $0x4E70, s12  }
0xdc: {  	[spmem:s2] =	stream.indirect.scatter.add.f32 [tilespmem:s22], [sflag:$0x2], $0x40, s14, s20, $0xb8;
	[tilespmem:$0x1B580] =	vst v63  }
0xdd: {  	s7 =	simm.s32 $0x1;
	s17 =	sadd.s32 $0x4E98, s12;
	p2 =	sgt.u32 s9, $0x18  }
0xde: {  	[spmem:s2] =	stream.indirect.scatter.add.f32 [tilespmem:s24], [sflag:$0x2], $0x40, s15, s20, $0xb8;
	[tilespmem:$0x1B580] =	vst v63  }
0xdf: {  	s28 =	sadd.s32 $0x4EC0, s12;
	s7 =	simm.s32 @!p2 $0x0  }
0xe0: {  	[spmem:s2] =	stream.indirect.scatter.add.f32 [tilespmem:s26], [sflag:$0x2], $0x40, s17, s20, $0xb8;
	[tilespmem:$0x1B580] =	vst v63  }
0xe1: {  	p4 =	seq.s32 s6, s7  }
0xe2: {  	[spmem:s2] =	stream.indirect.scatter.add.f32 [tilespmem:s29], [sflag:$0x2], $0x40, s28, s20, $0xb8;
	[tilespmem:$0x1B580] =	vst v63  }
0xe3: {  	s7 =	simm.s32 @!p4 $0x28;
	s5 =	simm.s32 @!p4 $0x10040  }
0xe4: {  	[spmem:s3] =	stream.indirect.scatter.add.f32 @!p4 [tilespmem:s5], [sflag:$0x3], $0x8, s4, s7, $0xb8;
	[tilespmem:$0x1B580] =	vst v63  }
0xe5: {  	_ = 	snop  }
0xe6: {  	[spmem:s3] =	stream.indirect.scatter.add.f32 @!p4 [tilespmem:s5], [sflag:$0x3], $0x8, s14, s7, $0xb8;
	[tilespmem:$0x1B580] =	vst v63  }
0xe7: {  	_ = 	snop  }
0xe8: {  	[spmem:s3] =	stream.indirect.scatter.add.f32 @!p4 [tilespmem:s5], [sflag:$0x3], $0x8, s15, s7, $0xb8;
	[tilespmem:$0x1B580] =	vst v63  }
0xe9: {  	p3 =	seq.s32 s8, $0x13240  }
0xea: {  	[spmem:s3] =	stream.indirect.scatter.add.f32 @!p4 [tilespmem:s5], [sflag:$0x3], $0x8, s17, s7, $0xb8;
	[tilespmem:$0x1B580] =	vst v63  }
0xeb: {  	s4 =	simm.s32 @!p3 $0x2;
	s14 =	sshra.s32 @!p3 s8, $0x2;
	s8 =	smov.u32 s13  }
0xec: {  	[spmem:s3] =	stream.indirect.scatter.add.f32 @!p4 [tilespmem:s5], [sflag:$0x3], $0x8, s28, s7, $0xb8;
	[tilespmem:$0x1B580] =	vst v63  }
0xed: {  	s5 =	sadd.s32 @!p3 $0x190, s14;
	s7 =	sadd.s32 @!p3 $0x1B8, s14;
	_ =	swait.ge @!p3 [sflag:s4], $0xA00  }
0xee: {  	s13 =	sadd.s32 @!p3 $0x1E0, s14;
	s15 =	sadd.s32 @!p3 $0x208, s14;
	[sflag:s4] =	ssyncset.done @!p3 $0x0  }
0xef: {  	s14 =	sadd.s32 @!p3 $0x230, s14;
	[sflag:s4] =	ssyncadd.s32 @!p3 $0xFFFFF600  }
0xf0: {  	_ =	swait.ge @!p3 [sflag:s4], $0xA00  }
0xf1: {  	[sflag:s4] =	ssyncset.done @!p3 $0x0  }
0xf2: {  	[sflag:s4] =	ssyncadd.s32 @!p3 $0xFFFFF600  }
0xf3: {  	_ =	swait.ge @!p3 [sflag:s4], $0xA00  }
0xf4: {  	[sflag:s4] =	ssyncset.done @!p3 $0x0  }
0xf5: {  	[sflag:s4] =	ssyncadd.s32 @!p3 $0xFFFFF600  }
0xf6: {  	_ =	swait.ge @!p3 [sflag:s4], $0xA00  }
0xf7: {  	[sflag:s4] =	ssyncset.done @!p3 $0x0  }
0xf8: {  	s17 =	simm.s32 @!p3 $0x28;
	s28 =	simm.s32 @!p3 $0x9C40;
	[sflag:s4] =	ssyncadd.s32 @!p3 $0xFFFFF600  }
0xf9: {  	s16 =	simm.s32 @!p3 $0xA640;
	_ =	swait.ge @!p3 [sflag:s4], $0xA00  }
0xfa: {  	[sflag:s4] =	ssyncset.done @!p3 $0x0  }
0xfb: {  	[sflag:s4] =	ssyncadd.s32 @!p3 $0xFFFFF600;
	s4 =	simm.s32 @!p3 $0xB040  }
0xfc: {  	[tilespmem:s28], [sflag:$0x1] =	stream.indirect.gather @!p3 [hbm4b:s11+s17], $0x40, s5, s17, $0xb8;
	[tilespmem:$0x1B580] =	vst v63  }
0xfd: {  	s5 =	simm.s32 @!p3 $0xBA40  }
0xfe: {  	[tilespmem:s16], [sflag:$0x1] =	stream.indirect.gather @!p3 [hbm4b:s11+s17], $0x40, s7, s17, $0xb8;
	[tilespmem:$0x1B580] =	vst v63  }
0xff: {  	s7 =	simm.s32 @!p3 $0xC440  }
0x100: {  	[tilespmem:s4], [sflag:$0x1] =	stream.indirect.gather @!p3 [hbm4b:s11+s17], $0x40, s13, s17, $0xb8;
	[tilespmem:$0x1B580] =	vst v63  }
0x101: {  	_ = 	snop  }
0x102: {  	[tilespmem:s5], [sflag:$0x1] =	stream.indirect.gather @!p3 [hbm4b:s11+s17], $0x40, s15, s17, $0xb8;
	[tilespmem:$0x1B580] =	vst v63  }
0x103: {  	_ = 	snop  }
0x104: {  	[tilespmem:s7], [sflag:$0x1] =	stream.indirect.gather @!p3 [hbm4b:s11+s17], $0x40, s14, s17, $0xb8;
	[tilespmem:$0x1B580] =	vst v63  }
0x105: {  	_ =	swait.ge [sflag:s19], $0xA00  }
0x106: {  	[sflag:s19] =	ssyncset.done $0x0  }
0x107: {  	[sflag:s19] =	ssyncadd.s32 $0xFFFFF600  }
0x108: {  	_ =	swait.ge [sflag:s19], $0xA00  }
0x109: {  	[sflag:s19] =	ssyncset.done $0x0  }
0x10a: {  	[sflag:s19] =	ssyncadd.s32 $0xFFFFF600  }
0x10b: {  	_ =	swait.ge [sflag:s19], $0xA00  }
0x10c: {  	[sflag:s19] =	ssyncset.done $0x0  }
0x10d: {  	s5 =	sadd.s32 $0x4EE8, s12;
	[sflag:s19] =	ssyncadd.s32 $0xFFFFF600  }
0x10e: {  	_ =	swait.ge [sflag:s19], $0xA00  }
0x10f: {  	[sflag:s19] =	ssyncset.done $0x0  }
0x110: {  	s14 =	sadd.s32 $0x4F10, s12;
	[sflag:s19] =	ssyncadd.s32 $0xFFFFF600  }
0x111: {  	_ =	swait.ge [sflag:s19], $0xA00  }
0x112: {  	[sflag:s19] =	ssyncset.done $0x0  }
0x113: {  	[sflag:s19] =	ssyncadd.s32 $0xFFFFF600  }
0x114: {  	[spmem:s2] =	stream.indirect.scatter.add.f32 [tilespmem:s30], [sflag:$0x2], $0x40, s5, s20, $0xb8;
	[tilespmem:$0x1B580] =	vst v63  }
0x115: {  	s28 =	sadd.s32 $0x4F38, s12  }
0x116: {  	[spmem:s2] =	stream.indirect.scatter.add.f32 [tilespmem:s31], [sflag:$0x2], $0x40, s14, s20, $0xb8;
	[tilespmem:$0x1B580] =	vst v63  }
0x117: {  	s4 =	sadd.s32 $0x4F60, s12;
	p3 =	por !p2, !p2  }
0x118: {  	[spmem:s2] =	stream.indirect.scatter.add.f32 [tilespmem:s0], [sflag:$0x2], $0x40, s28, s20, $0xb8;
	[tilespmem:$0x1B580] =	vst v63  }
0x119: {  	s12 =	sadd.s32 $0x4F88, s12;
	p3 =	por @!p0 p2, p2  }
0x11a: {  	[spmem:s2] =	stream.indirect.scatter.add.f32 [tilespmem:s1], [sflag:$0x2], $0x40, s4, s20, $0xb8;
	[tilespmem:$0x1B580] =	vst v63  }
.Ltmp0:
0x11b: {  	_ = 	snop;
	(pc) =	sbr.rel @p1 .LBB2_2-.Ltmp0, $4  }
0x11c: {  	s15 =	simm.s32 @p3 $0x28;
	s17 =	simm.s32 @p3 $0x10040  }
0x11d: {  	[spmem:s2] =	stream.indirect.scatter.add.f32 [tilespmem:s18], [sflag:$0x2], $0x40, s12, s20, $0xb8;
	[tilespmem:$0x1B580] =	vst v63  }
0x11e: {  	_ = 	snop  }
0x11f: {  	[spmem:s3] =	stream.indirect.scatter.add.f32 @p3 [tilespmem:s17], [sflag:$0x3], $0x8, s5, s15, $0xb8;
	[tilespmem:$0x1B580] =	vst v63  }
0x120: {  	[spmem:s3] =	stream.indirect.scatter.add.f32 @p3 [tilespmem:s17], [sflag:$0x3], $0x8, s14, s15, $0xb8;
	[tilespmem:$0x1B580] =	vst v63  }
0x121: {  	_ = 	snop  }
0x122: {  	[spmem:s3] =	stream.indirect.scatter.add.f32 @p3 [tilespmem:s17], [sflag:$0x3], $0x8, s28, s15, $0xb8;
	[tilespmem:$0x1B580] =	vst v63  }
0x123: {  	p1 =	seq.s32 s8, $0x0  }
0x124: {  	[spmem:s3] =	stream.indirect.scatter.add.f32 @p3 [tilespmem:s17], [sflag:$0x3], $0x8, s4, s15, $0xb8;
	[tilespmem:$0x1B580] =	vst v63  }
0x125: {  	s4 =	simm.s32 @!p1 $0x2  }
0x126: {  	[spmem:s3] =	stream.indirect.scatter.add.f32 @p3 [tilespmem:s17], [sflag:$0x3], $0x8, s12, s15, $0xb8;
	[tilespmem:$0x1B580] =	vst v63  }
0x127: {  	_ =	swait.ge @!p1 [sflag:s4], $0xA00  }
0x128: {  	[sflag:s4] =	ssyncset.done @!p1 $0x0  }
0x129: {  	[sflag:s4] =	ssyncadd.s32 @!p1 $0xFFFFF600  }
0x12a: {  	_ =	swait.ge @!p1 [sflag:s4], $0xA00  }
0x12b: {  	[sflag:s4] =	ssyncset.done @!p1 $0x0  }
0x12c: {  	[sflag:s4] =	ssyncadd.s32 @!p1 $0xFFFFF600  }
0x12d: {  	_ =	swait.ge @!p1 [sflag:s4], $0xA00  }
0x12e: {  	[sflag:s4] =	ssyncset.done @!p1 $0x0  }
0x12f: {  	[sflag:s4] =	ssyncadd.s32 @!p1 $0xFFFFF600  }
0x130: {  	_ =	swait.ge @!p1 [sflag:s4], $0xA00  }
0x131: {  	[sflag:s4] =	ssyncset.done @!p1 $0x0  }
0x132: {  	[sflag:s4] =	ssyncadd.s32 @!p1 $0xFFFFF600  }
0x133: {  	_ =	swait.ge @!p1 [sflag:s4], $0xA00  }
0x134: {  	s10 =	sshra.s32 s8, $0x2;
	[sflag:s4] =	ssyncset.done @!p1 $0x0  }
0x135: {  	s5 =	sadd.s32 $0xC8, s10;
	[sflag:s4] =	ssyncadd.s32 @!p1 $0xFFFFF600  }
0x136: {  	[tilespmem:s30], [sflag:$0x1] =	stream.indirect.gather [hbm4b:s11+s20], $0x40, s5, s20, $0xb8;
	[tilespmem:$0x1B580] =	vst v63  }
0x137: {  	s15 =	sadd.s32 $0xF0, s10  }
0x138: {  	[tilespmem:s31], [sflag:$0x1] =	stream.indirect.gather [hbm4b:s11+s20], $0x40, s15, s20, $0xb8;
	[tilespmem:$0x1B580] =	vst v63  }
0x139: {  	s16 =	sadd.s32 $0x118, s10  }
0x13a: {  	[tilespmem:s0], [sflag:$0x1] =	stream.indirect.gather [hbm4b:s11+s20], $0x40, s16, s20, $0xb8;
	[tilespmem:$0x1B580] =	vst v63  }
0x13b: {  	s17 =	sadd.s32 $0x140, s10  }
0x13c: {  	[tilespmem:s1], [sflag:$0x1] =	stream.indirect.gather [hbm4b:s11+s20], $0x40, s17, s20, $0xb8;
	[tilespmem:$0x1B580] =	vst v63  }
0x13d: {  	s28 =	sadd.s32 $0x168, s10  }
0x13e: {  	[tilespmem:s18], [sflag:$0x1] =	stream.indirect.gather [hbm4b:s11+s20], $0x40, s28, s20, $0xb8;
	[tilespmem:$0x1B580] =	vst v63  }
0x13f: {  	_ =	swait.ge [sflag:s19], $0xA00  }
0x140: {  	[sflag:s19] =	ssyncset.done $0x0  }
0x141: {  	[sflag:s19] =	ssyncadd.s32 $0xFFFFF600  }
0x142: {  	_ =	swait.ge [sflag:s19], $0xA00  }
0x143: {  	[sflag:s19] =	ssyncset.done $0x0  }
0x144: {  	[sflag:s19] =	ssyncadd.s32 $0xFFFFF600  }
0x145: {  	_ =	swait.ge [sflag:s19], $0xA00  }
0x146: {  	[sflag:s19] =	ssyncset.done $0x0  }
0x147: {  	[sflag:s19] =	ssyncadd.s32 $0xFFFFF600  }
0x148: {  	_ =	swait.ge [sflag:s19], $0xA00  }
0x149: {  	[sflag:s19] =	ssyncset.done $0x0  }
0x14a: {  	[sflag:s19] =	ssyncadd.s32 $0xFFFFF600  }
0x14b: {  	_ =	swait.ge [sflag:s19], $0xA00  }
0x14c: {  	[sflag:s19] =	ssyncset.done $0x0  }
0x14d: {  	s4 =	sadd.s32 $0x4E20, s10;
	[sflag:s19] =	ssyncadd.s32 $0xFFFFF600  }
0x14e: {  	[spmem:s2] =	stream.indirect.scatter.add.f32 [tilespmem:s21], [sflag:$0x2], $0x40, s4, s20, $0xb8;
	[tilespmem:$0x1B580] =	vst v63  }
0x14f: {  	s7 =	sadd.s32 $0x1, s9;
	s5 =	sadd.s32 $0x4E48, s10  }
0x150: {  	[spmem:s2] =	stream.indirect.scatter.add.f32 [tilespmem:s22], [sflag:$0x2], $0x40, s5, s20, $0xb8;
	[tilespmem:$0x1B580] =	vst v63  }
0x151: {  	s9 =	sadd.s32 $0x4E70, s10;
	p1 =	sgt.u32 s7, $0x18;
	s7 =	simm.s32 $0x1  }
0x152: {  	[spmem:s2] =	stream.indirect.scatter.add.f32 [tilespmem:s24], [sflag:$0x2], $0x40, s9, s20, $0xb8;
	[tilespmem:$0x1B580] =	vst v63  }
0x153: {  	s12 =	sadd.s32 $0x4E98, s10;
	s7 =	simm.s32 @!p1 $0x0  }
0x154: {  	[spmem:s2] =	stream.indirect.scatter.add.f32 [tilespmem:s26], [sflag:$0x2], $0x40, s12, s20, $0xb8;
	[tilespmem:$0x1B580] =	vst v63  }
0x155: {  	s13 =	sadd.s32 $0x4EC0, s10;
	p3 =	seq.s32 s6, s7  }
0x156: {  	[spmem:s2] =	stream.indirect.scatter.add.f32 [tilespmem:s29], [sflag:$0x2], $0x40, s13, s20, $0xb8;
	[tilespmem:$0x1B580] =	vst v63  }
0x157: {  	s6 =	simm.s32 @!p3 $0x28;
	s7 =	simm.s32 @!p3 $0x10040  }
0x158: {  	[spmem:s3] =	stream.indirect.scatter.add.f32 @!p3 [tilespmem:s7], [sflag:$0x3], $0x8, s4, s6, $0xb8;
	[tilespmem:$0x1B580] =	vst v63  }
0x159: {  	_ = 	snop  }
0x15a: {  	[spmem:s3] =	stream.indirect.scatter.add.f32 @!p3 [tilespmem:s7], [sflag:$0x3], $0x8, s5, s6, $0xb8;
	[tilespmem:$0x1B580] =	vst v63  }
0x15b: {  	_ = 	snop  }
0x15c: {  	[spmem:s3] =	stream.indirect.scatter.add.f32 @!p3 [tilespmem:s7], [sflag:$0x3], $0x8, s9, s6, $0xb8;
	[tilespmem:$0x1B580] =	vst v63  }
0x15d: {  	p2 =	seq.s32 s8, $0x13240  }
0x15e: {  	[spmem:s3] =	stream.indirect.scatter.add.f32 @!p3 [tilespmem:s7], [sflag:$0x3], $0x8, s12, s6, $0xb8;
	[tilespmem:$0x1B580] =	vst v63  }
0x15f: {  	s4 =	simm.s32 @!p2 $0x2  }
0x160: {  	[spmem:s3] =	stream.indirect.scatter.add.f32 @!p3 [tilespmem:s7], [sflag:$0x3], $0x8, s13, s6, $0xb8;
	[tilespmem:$0x1B580] =	vst v63  }
0x161: {  	_ =	swait.ge @!p2 [sflag:s4], $0xA00  }
0x162: {  	[sflag:s4] =	ssyncset.done @!p2 $0x0  }
0x163: {  	[sflag:s4] =	ssyncadd.s32 @!p2 $0xFFFFF600  }
0x164: {  	_ =	swait.ge @!p2 [sflag:s4], $0xA00  }
0x165: {  	[sflag:s4] =	ssyncset.done @!p2 $0x0  }
0x166: {  	[sflag:s4] =	ssyncadd.s32 @!p2 $0xFFFFF600  }
0x167: {  	_ =	swait.ge @!p2 [sflag:s4], $0xA00  }
0x168: {  	[sflag:s4] =	ssyncset.done @!p2 $0x0  }
0x169: {  	[sflag:s4] =	ssyncadd.s32 @!p2 $0xFFFFF600  }
0x16a: {  	_ =	swait.ge @!p2 [sflag:s4], $0xA00  }
0x16b: {  	[sflag:s4] =	ssyncset.done @!p2 $0x0  }
0x16c: {  	[sflag:s4] =	ssyncadd.s32 @!p2 $0xFFFFF600  }
0x16d: {  	_ =	swait.ge @!p2 [sflag:s4], $0xA00  }
0x16e: {  	s5 =	sshra.s32 @!p2 s8, $0x2;
	s8 =	simm.s32 @!p2 $0x9C40;
	[sflag:s4] =	ssyncset.done @!p2 $0x0  }
0x16f: {  	s6 =	sadd.s32 @!p2 $0x190, s5;
	s7 =	simm.s32 @!p2 $0x28;
	[sflag:s4] =	ssyncadd.s32 @!p2 $0xFFFFF600  }
0x170: {  	[tilespmem:s8], [sflag:$0x1] =	stream.indirect.gather @!p2 [hbm4b:s11+s7], $0x40, s6, s7, $0xb8;
	[tilespmem:$0x1B580] =	vst v63  }
0x171: {  	s4 =	sadd.s32 @!p2 $0x1B8, s5;
	s6 =	simm.s32 @!p2 $0xA640  }
0x172: {  	[tilespmem:s6], [sflag:$0x1] =	stream.indirect.gather @!p2 [hbm4b:s11+s7], $0x40, s4, s7, $0xb8;
	[tilespmem:$0x1B580] =	vst v63  }
0x173: {  	s4 =	sadd.s32 @!p2 $0x1E0, s5;
	s6 =	simm.s32 @!p2 $0xB040  }
0x174: {  	[tilespmem:s6], [sflag:$0x1] =	stream.indirect.gather @!p2 [hbm4b:s11+s7], $0x40, s4, s7, $0xb8;
	[tilespmem:$0x1B580] =	vst v63  }
0x175: {  	s4 =	sadd.s32 @!p2 $0x208, s5;
	s6 =	simm.s32 @!p2 $0xBA40  }
0x176: {  	[tilespmem:s6], [sflag:$0x1] =	stream.indirect.gather @!p2 [hbm4b:s11+s7], $0x40, s4, s7, $0xb8;
	[tilespmem:$0x1B580] =	vst v63  }
0x177: {  	s4 =	sadd.s32 @!p2 $0x230, s5;
	s5 =	simm.s32 @!p2 $0xC440  }
0x178: {  	[tilespmem:s5], [sflag:$0x1] =	stream.indirect.gather @!p2 [hbm4b:s11+s7], $0x40, s4, s7, $0xb8;
	[tilespmem:$0x1B580] =	vst v63  }
0x179: {  	_ =	swait.ge [sflag:s19], $0xA00  }
0x17a: {  	[sflag:s19] =	ssyncset.done $0x0  }
0x17b: {  	[sflag:s19] =	ssyncadd.s32 $0xFFFFF600  }
0x17c: {  	_ =	swait.ge [sflag:s19], $0xA00  }
0x17d: {  	[sflag:s19] =	ssyncset.done $0x0  }
0x17e: {  	[sflag:s19] =	ssyncadd.s32 $0xFFFFF600  }
0x17f: {  	_ =	swait.ge [sflag:s19], $0xA00  }
0x180: {  	[sflag:s19] =	ssyncset.done $0x0  }
0x181: {  	[sflag:s19] =	ssyncadd.s32 $0xFFFFF600  }
0x182: {  	_ =	swait.ge [sflag:s19], $0xA00  }
0x183: {  	[sflag:s19] =	ssyncset.done $0x0  }
0x184: {  	[sflag:s19] =	ssyncadd.s32 $0xFFFFF600  }
0x185: {  	_ =	swait.ge [sflag:s19], $0xA00  }
0x186: {  	[sflag:s19] =	ssyncset.done $0x0  }
0x187: {  	s4 =	sadd.s32 $0x4EE8, s10;
	[sflag:s19] =	ssyncadd.s32 $0xFFFFF600  }
0x188: {  	[spmem:s2] =	stream.indirect.scatter.add.f32 [tilespmem:s30], [sflag:$0x2], $0x40, s4, s20, $0xb8;
	[tilespmem:$0x1B580] =	vst v63  }
0x189: {  	s5 =	sadd.s32 $0x4F10, s10  }
0x18a: {  	[spmem:s2] =	stream.indirect.scatter.add.f32 [tilespmem:s31], [sflag:$0x2], $0x40, s5, s20, $0xb8;
	[tilespmem:$0x1B580] =	vst v63  }
0x18b: {  	s6 =	sadd.s32 $0x4F38, s10  }
0x18c: {  	[spmem:s2] =	stream.indirect.scatter.add.f32 [tilespmem:s0], [sflag:$0x2], $0x40, s6, s20, $0xb8;
	[tilespmem:$0x1B580] =	vst v63  }
0x18d: {  	p2 =	por !p1, !p1;
	s7 =	sadd.s32 $0x4F60, s10  }
0x18e: {  	[spmem:s2] =	stream.indirect.scatter.add.f32 [tilespmem:s1], [sflag:$0x2], $0x40, s7, s20, $0xb8;
	[tilespmem:$0x1B580] =	vst v63  }
0x18f: {  	s8 =	sadd.s32 $0x4F88, s10;
	p2 =	por @!p0 p1, p1  }
0x190: {  	[spmem:s2] =	stream.indirect.scatter.add.f32 [tilespmem:s18], [sflag:$0x2], $0x40, s8, s20, $0xb8;
	[tilespmem:$0x1B580] =	vst v63  }
0x191: {  	s9 =	simm.s32 @p2 $0x28;
	s10 =	simm.s32 @p2 $0x10040  }
0x192: {  	[spmem:s3] =	stream.indirect.scatter.add.f32 @p2 [tilespmem:s10], [sflag:$0x3], $0x8, s4, s9, $0xb8;
	[tilespmem:$0x1B580] =	vst v63  }
0x193: {  	_ = 	snop  }
0x194: {  	[spmem:s3] =	stream.indirect.scatter.add.f32 @p2 [tilespmem:s10], [sflag:$0x3], $0x8, s5, s9, $0xb8;
	[tilespmem:$0x1B580] =	vst v63  }
0x195: {  	_ = 	snop  }
0x196: {  	[spmem:s3] =	stream.indirect.scatter.add.f32 @p2 [tilespmem:s10], [sflag:$0x3], $0x8, s6, s9, $0xb8;
	[tilespmem:$0x1B580] =	vst v63  }
0x197: {  	_ = 	snop  }
0x198: {  	[spmem:s3] =	stream.indirect.scatter.add.f32 @p2 [tilespmem:s10], [sflag:$0x3], $0x8, s7, s9, $0xb8;
	[tilespmem:$0x1B580] =	vst v63  }
0x199: {  	_ = 	snop  }
0x19a: {  	[spmem:s3] =	stream.indirect.scatter.add.f32 @p2 [tilespmem:s10], [sflag:$0x3], $0x8, s8, s9, $0xb8;
	[tilespmem:$0x1B580] =	vst v63  }
0x19b: {  	_ =	swait.ge [sflag:s23], $0xA00  }
0x19c: {  	[sflag:s23] =	ssyncset.done $0x0  }
0x19d: {  	[sflag:s23] =	ssyncadd.s32 $0xFFFFF600  }
0x19e: {  	_ =	swait.ge [sflag:s23], $0xA00  }
0x19f: {  	[sflag:s23] =	ssyncset.done $0x0  }
0x1a0: {  	[sflag:s23] =	ssyncadd.s32 $0xFFFFF600  }
0x1a1: {  	_ =	swait.ge [sflag:s23], $0xA00  }
0x1a2: {  	[sflag:s23] =	ssyncset.done $0x0  }
0x1a3: {  	[sflag:s23] =	ssyncadd.s32 $0xFFFFF600  }
0x1a4: {  	_ =	swait.ge [sflag:s23], $0xA00  }
0x1a5: {  	[sflag:s23] =	ssyncset.done $0x0  }
0x1a6: {  	[sflag:s23] =	ssyncadd.s32 $0xFFFFF600  }
0x1a7: {  	_ =	swait.ge [sflag:s23], $0xA00  }
0x1a8: {  	[sflag:s23] =	ssyncset.done $0x0  }
0x1a9: {  	[sflag:s23] =	ssyncadd.s32 $0xFFFFF600  }
0x1aa: {  	_ =	swait.ge [sflag:s23], $0xA00  }
0x1ab: {  	[sflag:s23] =	ssyncset.done $0x0  }
0x1ac: {  	[sflag:s23] =	ssyncadd.s32 $0xFFFFF600  }
0x1ad: {  	_ =	swait.ge [sflag:s23], $0xA00  }
0x1ae: {  	[sflag:s23] =	ssyncset.done $0x0  }
0x1af: {  	[sflag:s23] =	ssyncadd.s32 $0xFFFFF600  }
0x1b0: {  	_ =	swait.ge [sflag:s23], $0xA00  }
0x1b1: {  	[sflag:s23] =	ssyncset.done $0x0  }
0x1b2: {  	[sflag:s23] =	ssyncadd.s32 $0xFFFFF600  }
0x1b3: {  	_ =	swait.ge [sflag:s23], $0xA00  }
0x1b4: {  	[sflag:s23] =	ssyncset.done $0x0  }
0x1b5: {  	[sflag:s23] =	ssyncadd.s32 $0xFFFFF600  }
0x1b6: {  	_ =	swait.ge [sflag:s23], $0xA00  }
0x1b7: {  	[sflag:s23] =	ssyncset.done $0x0  }
0x1b8: {  	[sflag:s23] =	ssyncadd.s32 $0xFFFFF600  }
0x1b9: {  	_ =	swait.ge [sflag:s25], $0x140  }
0x1ba: {  	[sflag:s25] =	ssyncset.done $0x0  }
0x1bb: {  	[sflag:s25] =	ssyncadd.s32 $0xFFFFFEC0  }
0x1bc: {  	_ =	swait.ge [sflag:s25], $0x140  }
0x1bd: {  	[sflag:s25] =	ssyncset.done $0x0  }
0x1be: {  	[sflag:s25] =	ssyncadd.s32 $0xFFFFFEC0  }
0x1bf: {  	_ =	swait.ge [sflag:s25], $0x140  }
0x1c0: {  	[sflag:s25] =	ssyncset.done $0x0  }
0x1c1: {  	[sflag:s25] =	ssyncadd.s32 $0xFFFFFEC0  }
0x1c2: {  	_ =	swait.ge [sflag:s25], $0x140  }
0x1c3: {  	[sflag:s25] =	ssyncset.done $0x0  }
0x1c4: {  	[sflag:s25] =	ssyncadd.s32 $0xFFFFFEC0  }
0x1c5: {  	_ =	swait.ge [sflag:s25], $0x140  }
0x1c6: {  	s4 =	simm.s32 $0x31;
	[sflag:s25] =	ssyncset.done $0x0  }
.LBB2_4:
0x1c7: {  	p1 =	sne.s32 s4, $0x1;
	s4 =	sadd.s32 $0xFFFFFFFF, s4;
	[sflag:s25] =	ssyncadd.s32 $0xFFFFFEC0  }
0x1c8: {  	_ =	swait.ge [sflag:s25], $0x140  }
0x1c9: {  	[sflag:s25] =	ssyncset.done $0x0  }
0x1ca: {  	[sflag:s25] =	ssyncadd.s32 $0xFFFFFEC0  }
0x1cb: {  	_ =	swait.ge [sflag:s25], $0x140  }
0x1cc: {  	[sflag:s25] =	ssyncset.done $0x0  }
0x1cd: {  	[sflag:s25] =	ssyncadd.s32 $0xFFFFFEC0  }
0x1ce: {  	_ =	swait.ge [sflag:s25], $0x140  }
0x1cf: {  	[sflag:s25] =	ssyncset.done $0x0  }
0x1d0: {  	[sflag:s25] =	ssyncadd.s32 $0xFFFFFEC0  }
.Ltmp1:
0x1d1: {  	_ =	swait.ge [sflag:s25], $0x140;
	(pc) =	sbr.rel @p1 .LBB2_4-.Ltmp1, $4  }
0x1d2: {  	[sflag:s25] =	ssyncset.done $0x0  }
0x1d3: {  	[sflag:s25] =	ssyncadd.s32 $0xFFFFFEC0  }
0x1d4: {  	_ =	swait.ge [sflag:s25], $0x140  }
0x1d5: {  	[sflag:s25] =	ssyncset.done $0x0  }
0x1d6: {  	[sflag:s25] =	ssyncadd.s32 $0xFFFFFEC0  }
0x1d7: {  	[bflag:$0x0] =	sbarrier.arrive $0xFFFF  }
0x1d8: {  	s7 =	rddreg [dreg:$0x9]  }
0x1d9: {  	s9 =	simm.s32 $0x10;
	s4 =	rddreg [dreg:$0xd]  }
0x1da: {  	s5 =	simm.s32 $0x8;
	s8 =	simm.s32 $0x4;
	s6 =	rddreg [dreg:$0x10]  }
0x1db: {  	[hbm:s4@s9], [sflag:s7] =	dma.strided [spmem:s6@s5], $0x1400, s19, $0x8   }
0x1dc: {  	_ =	swait.ge [sflag:s8], $0x1400  }
0x1dd: {  	[sflag:s8] =	ssyncset.done $0x0;
	s16 =	rddreg [dreg:$0xe]  }
0x1de: {  	s5 =	rddreg [dreg:$0x11];
	[sflag:s8] =	ssyncadd.s32 $0xFFFFEC00  }
0x1df: {  	[hbm:s16@s9], [sflag:s7] =	dma.strided [spmem:s5@s19], $0x280, s19, $0x1   }
0x1e0: {  	_ =	swait.ge [sflag:s8], $0x280  }
0x1e1: {  	s17 =	rddreg [dreg:$0x12]  }
0x1e2: {  	s28 =	rddreg [dreg:$0xf];
	s9 =	sadd.s32 $0x1, s17  }
0x1e3: {  	p1 =	sne.s32 s9, s28  }
.Ltmp2:
0x1e4: {  	_ = 	snop;
	(pc) =	sbr.rel @p1 .LBB2_1-.Ltmp2, $3  }
0x1e5: {  	_ =	sdelay $0x1  }
0x1e6: {  	[sflag:s8] =	ssyncset.done $0x0  }
0x1e7: {  	[sflag:s8] =	ssyncadd.s32 $0xFFFFFD80  }
0x1e8: {  	_ =	sfence.sel $0x180000  }
0x1e9: {  	[bflag:$0x0] =	sbarrier.arrive $0xFFFF  }
0x1ea: {  	_ =	strace $0x90000047  }
0x1eb: {  	s0 =	stileid.u32;
	[bflag:$0x2] =	sbarrier.arrive $0xFFFF  }
0x1ec: {  	p0 =	sne.s32 s0, $0x0;
	s0 =	rddreg [dreg:$0x6]  }
0x1ed: {  	s0 =	sadd.s32 @!p0 $0x100000, s0  }
0x1ee: {  	[sflag:s0] =	ssyncadd.tile.s32 @!p0 $0x1;
	_ =	shalt  }
.Lfunc_end2:
_tile_overlayer_lowered:
.L_overlay_start_2:
0x1ef: {  	(tag) =	ssettag $0x2  }
0x1f0: {  	s0 =	rddreg [dreg:$0x0];
	s2 =	stileid.u32  }
0x1f1: {  	s1 =	rddreg [dreg:$0x1];
	p0 =	sne.s32 s2, $0x0  }
0x1f2: {  	s3 =	rddreg [dreg:$0x2];
	[bflag:$0x3] =	sbarrier.arrive $0xFFFF;
	s2 =	simm.s32 @!p0 $0x1C04  }
0x1f3: {  	[timem:s3], [sflag:s2] =	dma.local @!p0 [hbm:s0], s1  }
0x1f4: {  	s0 =	simm.s32 @!p0 $0x4  }
0x1f5: {  	_ =	swait.ge @!p0 [sflag:s0], s1  }
0x1f6: {  	s1 =	ssub.s32 @!p0 $0x0, s1;
	[sflag:s0] =	ssyncset.done @!p0 $0x0  }
0x1f7: {  	[sflag:s0] =	ssyncadd.s32 @!p0 s1  }
0x1f8: {  	[bflag:$0x3] =	sbarrier.arrive $0xFFFF  }
0x1f9: {  	_ =	shalt  }

</sc_bundles>
